<compile_context>
chip_gen: v7x
topology: tpu7x:2x2x1
jax: 0.10.2.dev20260603
libtpu: 0.0.44.dev20260713+nightly
codegen_flags: <defaults>
</compile_context>

<pallas_src>
import functools

import jax
import jax.numpy as jnp
from jax import lax
from jax.experimental import pallas as pl
from jax.experimental.pallas import tpu as pltpu
from jax.experimental.pallas import tpu_sc as plsc

_VOCAB = 100000
_DIM = 128
_EPS = 1e-12

_NORM_BLOCK = 2000

_NC = 2
_NS = 16
_NW = _NC * _NS
_G = 128


def _norm_body(t_ref, w_ref, o_ref):
    x = t_ref[...]
    ms = jnp.mean(x * x, axis=-1, keepdims=True)
    o_ref[...] = x * lax.rsqrt(ms + _EPS) * w_ref[...]


def _normalize_table(table, norm_weight):
    return pl.pallas_call(
        _norm_body,
        grid=(_VOCAB // _NORM_BLOCK,),
        in_specs=[
            pl.BlockSpec((_NORM_BLOCK, _DIM), lambda i: (i, 0)),
            pl.BlockSpec((1, _DIM), lambda i: (0, 0)),
        ],
        out_specs=pl.BlockSpec((_NORM_BLOCK, _DIM), lambda i: (i, 0)),
        out_shape=jax.ShapeDtypeStruct((_VOCAB, _DIM), jnp.float32),
    )(table, norm_weight.reshape(1, _DIM))


_NBUF = 5


def _make_gather(n_ids):
    assert n_ids % (_NW * _G * _NBUF) == 0
    b_per_w = n_ids // _NW
    n_groups = b_per_w // _G
    mesh = plsc.VectorSubcoreMesh(
        core_axis_name="c", subcore_axis_name="s",
        num_cores=_NC, num_subcores=_NS,
    )

    @functools.partial(
        pl.kernel,
        out_type=jax.ShapeDtypeStruct((n_ids, _DIM), jnp.float32),
        mesh=mesh,
        scratch_types=[
            pltpu.VMEM((b_per_w,), jnp.int32),
            pltpu.VMEM((_NBUF, _G, _DIM), jnp.float32),
            pltpu.SemaphoreType.DMA((_NBUF,)),
            pltpu.SemaphoreType.DMA((_NBUF,)),
        ],
    )
    def gather_kernel(tab_hbm, ids_hbm, out_hbm, idx_v, rows_v, gsem, wsem):
        wid = lax.axis_index("s") * _NC + lax.axis_index("c")
        base = wid * b_per_w
        pltpu.sync_copy(ids_hbm.at[pl.ds(base, b_per_w)], idx_v)

        def start_gather(b, g):
            pltpu.async_copy(
                tab_hbm.at[idx_v.at[pl.ds(g * _G, _G)]],
                rows_v.at[b], gsem.at[b],
            )

        def wait_gather(b, g):
            pltpu.make_async_copy(
                tab_hbm.at[idx_v.at[pl.ds(g * _G, _G)]],
                rows_v.at[b], gsem.at[b],
            ).wait()

        def start_write(b, g):
            pltpu.async_copy(
                rows_v.at[b], out_hbm.at[pl.ds(base + g * _G, _G)], wsem.at[b]
            )

        def wait_write(b, g):
            pltpu.make_async_copy(
                rows_v.at[b], out_hbm.at[pl.ds(base + g * _G, _G)], wsem.at[b]
            ).wait()

        for b in range(_NBUF):
            start_gather(b, b)

        def outer(it, carry):
            g0 = it * _NBUF
            for b in range(_NBUF):
                g = g0 + b
                wait_gather(b, g)
                start_write(b, g)
            for b in range(_NBUF):
                g = g0 + b
                wait_write(b, g)
                start_gather(b, g + _NBUF)
            return carry

        lax.fori_loop(0, n_groups // _NBUF - 1, outer, 0)

        for b in range(_NBUF):
            g = n_groups - _NBUF + b
            wait_gather(b, g)
            start_write(b, g)
        for b in range(_NBUF):
            g = n_groups - _NBUF + b
            wait_write(b, g)

    return gather_kernel


def kernel(input_ids, table, norm_weight):
    b, l = input_ids.shape
    normed = _normalize_table(table, norm_weight)
    ids_flat = input_ids.reshape(-1)
    out = _make_gather(ids_flat.size)(normed, ids_flat)
    return out.reshape(b, l, _DIM)

# --- scband reference (transcript-rebuilt; emitter-appended) ---
"""Pipeline reference for scband-tite-embeddings-23965917512327 (READ-ONLY COPY).

The authoritative reference and input builder live on the scoring server;
editing this copy changes nothing except your own understanding.
"""

import jax, jax.numpy as jnp
import numpy as np

VOCAB = 100000
DIM = 128
B = 4096
L = 200
EPS = 1e-12


def setup_inputs(seed: int = 0) -> dict:
    key = jax.random.key(seed)
    k1, k2 = jax.random.split(key)
    input_ids = jax.random.randint(k1, (B, L), 0, VOCAB, dtype=jnp.int32)
    table = jax.random.normal(k2, (VOCAB, DIM), dtype=jnp.float32) * 0.02
    table = table.at[0].set(0.0)  # padding_idx=0 row is zeroed in nn.Embedding
    norm_weight = jnp.ones((DIM,), dtype=jnp.float32)
    return {"input_ids": input_ids, "table": table, "norm_weight": norm_weight}


def reference(input_ids, table, norm_weight):
    # word embedding gather (downscale is Identity since hidden_sizes[0]==hidden_sizes[-1])
    emb = jnp.take(table, input_ids, axis=0)
    # no absolute position embeddings (absolute_positional_embedding_type=None)
    # RMSNorm (Llama2-style): x * rsqrt(mean(x^2) + eps) * weight, computed in fp32
    x = emb.astype(jnp.float32)
    normed = x * jax.lax.rsqrt(jnp.mean(x * x, axis=-1, keepdims=True) + EPS)
    out = (normed * norm_weight).astype(emb.dtype)
    # dropout_prob=0.0 / eval mode -> identity
    return out

if __name__ == "__main__":
    import jax
    _d = setup_inputs()
    print(jax.jit(kernel)(*tuple(_d.values())))

</pallas_src>

<mosaic_0001>
#map = affine_map<(d0, d1) -> (0, 0)>
#map1 = affine_map<(d0, d1) -> (0)>
module attributes {stable_mosaic.version = 14 : i64} {
  func.func @gather_kernel(%arg0: i32, %arg1: i32, %arg2: memref<100000x128xf32, #tpu.memory_space<hbm>>, %arg3: memref<819200xi32, #tpu.memory_space<hbm>>, %arg4: memref<819200x128xf32, #tpu.memory_space<hbm>>, %arg5: memref<25600xi32, #tpu.memory_space<vmem>>, %arg6: memref<5x128x128xf32, #tpu.memory_space<vmem>>, %arg7: memref<5x!tpu.dma_semaphore, #tpu.memory_space<semaphore_mem>>, %arg8: memref<5x!tpu.dma_semaphore, #tpu.memory_space<semaphore_mem>>) attributes {dimension_semantics = [#tpu.dimension_semantics<core_parallel>, #tpu.dimension_semantics<subcore_parallel>], iteration_bounds = array<i64: 2, 16>, scalar_prefetch = 0 : i64, scratch_operands = 4 : i64, tpu.core_type = #tpu.core_type<sc_vector_subcore>, window_params = [{transform_indices = #map}, {transform_indices = #map1}, {transform_indices = #map}]} {
    %mul3A = arith.constant 2 : i32
    %mul3A_0 = arith.muli %arg1, %mul3A : i32
    %add3A = arith.addi %mul3A_0, %arg0 : i32
    %mul3A_1 = arith.constant 25600 : i32
    %mul3A_2 = arith.muli %add3A, %mul3A_1 : i32
    "tpu.region"() ({
      %run_scoped3A = tpu.sem_alloc : memref<!tpu.dma_semaphore, #tpu.memory_space<semaphore_mem>>
      %dma_start3A_316 = tpu.memref_slice %arg3[%mul3A_2] : memref<819200xi32, #tpu.memory_space<hbm>> -> memref<25600xi32, #tpu.memory_space<hbm>>
      %dma_start3A_317 = tpu.memref_slice %arg3[%mul3A_2] : memref<819200xi32, #tpu.memory_space<hbm>> -> memref<25600xi32, #tpu.memory_space<hbm>>
      tpu.enqueue_dma source(%dma_start3A_317 : memref<25600xi32, #tpu.memory_space<hbm>>) target(%arg5 : memref<25600xi32, #tpu.memory_space<vmem>>) target_semaphore(%run_scoped3A : memref<!tpu.dma_semaphore, #tpu.memory_space<semaphore_mem>>)
      %dma_wait3A_318 = tpu.memref_slice %arg3[%mul3A_2] : memref<819200xi32, #tpu.memory_space<hbm>> -> memref<25600xi32, #tpu.memory_space<hbm>>
      %dma_wait3A_319 = tpu.memref_slice %arg3[%mul3A_2] : memref<819200xi32, #tpu.memory_space<hbm>> -> memref<25600xi32, #tpu.memory_space<hbm>>
      tpu.wait_dma2 semaphore(%run_scoped3A : memref<!tpu.dma_semaphore, #tpu.memory_space<semaphore_mem>>) src(%dma_wait3A_319 : memref<25600xi32, #tpu.memory_space<hbm>>) dst(%arg5 : memref<25600xi32, #tpu.memory_space<vmem>>)
      tpu.yield
    }) : () -> ()
    %dma_start3A = arith.constant 0 : i32
    %dma_start3A_3 = arith.constant 0 : i32
    %dma_start3A_4 = arith.constant 0 : i32
    %dma_start3A_5 = arith.constant 0 : i32
    %dma_start3A_6 = tpu.memref_slice %arg6[%dma_start3A, %dma_start3A_4, %dma_start3A_5] : memref<5x128x128xf32, #tpu.memory_space<vmem>> -> memref<1x128x128xf32, #tpu.memory_space<vmem>>
    %dma_start3A_7 = tpu.memref_squeeze %dma_start3A_6 : memref<1x128x128xf32, #tpu.memory_space<vmem>> -> memref<128x128xf32, #tpu.memory_space<vmem>>
    %dma_start3A_8 = arith.constant 0 : i32
    %dma_start3A_9 = tpu.memref_slice %arg5[%dma_start3A_8] : memref<25600xi32, #tpu.memory_space<vmem>> -> memref<128xi32, #tpu.memory_space<vmem>>
    %dma_start3A_10 = arith.constant 0 : i32
    %dma_start3A_11 = arith.constant 0 : i32
    %dma_start3A_12 = tpu.memref_slice %arg2[%dma_start3A_10, %dma_start3A_11] : memref<100000x128xf32, #tpu.memory_space<hbm>> -> memref<100000x128xf32, #tpu.memory_space<hbm>>
    %dma_start3A_13 = tpu.memref_slice %arg7[%dma_start3A_3] : memref<5x!tpu.dma_semaphore, #tpu.memory_space<semaphore_mem>> -> memref<1x!tpu.dma_semaphore, #tpu.memory_space<semaphore_mem>>
    %dma_start3A_14 = tpu.memref_squeeze %dma_start3A_13 : memref<1x!tpu.dma_semaphore, #tpu.memory_space<semaphore_mem>> -> memref<!tpu.dma_semaphore, #tpu.memory_space<semaphore_mem>>
    tpu.enqueue_indirect_dma source(%dma_start3A_12 : memref<100000x128xf32, #tpu.memory_space<hbm>>) target(%dma_start3A_7 : memref<128x128xf32, #tpu.memory_space<vmem>>) offsets(%dma_start3A_9 : memref<128xi32, #tpu.memory_space<vmem>>) semaphore(%dma_start3A_14 : memref<!tpu.dma_semaphore, #tpu.memory_space<semaphore_mem>>)
    %dma_start3A_15 = arith.constant 1 : i32
    %dma_start3A_16 = arith.constant 1 : i32
    %dma_start3A_17 = arith.constant 0 : i32
    %dma_start3A_18 = arith.constant 0 : i32
    %dma_start3A_19 = tpu.memref_slice %arg6[%dma_start3A_15, %dma_start3A_17, %dma_start3A_18] : memref<5x128x128xf32, #tpu.memory_space<vmem>> -> memref<1x128x128xf32, #tpu.memory_space<vmem>>
    %dma_start3A_20 = tpu.memref_squeeze %dma_start3A_19 : memref<1x128x128xf32, #tpu.memory_space<vmem>> -> memref<128x128xf32, #tpu.memory_space<vmem>>
    %dma_start3A_21 = arith.constant 128 : i32
    %dma_start3A_22 = tpu.memref_slice %arg5[%dma_start3A_21] : memref<25600xi32, #tpu.memory_space<vmem>> -> memref<128xi32, #tpu.memory_space<vmem>>
    %dma_start3A_23 = arith.constant 0 : i32
    %dma_start3A_24 = arith.constant 0 : i32
    %dma_start3A_25 = tpu.memref_slice %arg2[%dma_start3A_23, %dma_start3A_24] : memref<100000x128xf32, #tpu.memory_space<hbm>> -> memref<100000x128xf32, #tpu.memory_space<hbm>>
    %dma_start3A_26 = tpu.memref_slice %arg7[%dma_start3A_16] : memref<5x!tpu.dma_semaphore, #tpu.memory_space<semaphore_mem>> -> memref<1x!tpu.dma_semaphore, #tpu.memory_space<semaphore_mem>>
    %dma_start3A_27 = tpu.memref_squeeze %dma_start3A_26 : memref<1x!tpu.dma_semaphore, #tpu.memory_space<semaphore_mem>> -> memref<!tpu.dma_semaphore, #tpu.memory_space<semaphore_mem>>
    tpu.enqueue_indirect_dma source(%dma_start3A_25 : memref<100000x128xf32, #tpu.memory_space<hbm>>) target(%dma_start3A_20 : memref<128x128xf32, #tpu.memory_space<vmem>>) offsets(%dma_start3A_22 : memref<128xi32, #tpu.memory_space<vmem>>) semaphore(%dma_start3A_27 : memref<!tpu.dma_semaphore, #tpu.memory_space<semaphore_mem>>)
    %dma_start3A_28 = arith.constant 2 : i32
    %dma_start3A_29 = arith.constant 2 : i32
    %dma_start3A_30 = arith.constant 0 : i32
    %dma_start3A_31 = arith.constant 0 : i32
    %dma_start3A_32 = tpu.memref_slice %arg6[%dma_start3A_28, %dma_start3A_30, %dma_start3A_31] : memref<5x128x128xf32, #tpu.memory_space<vmem>> -> memref<1x128x128xf32, #tpu.memory_space<vmem>>
    %dma_start3A_33 = tpu.memref_squeeze %dma_start3A_32 : memref<1x128x128xf32, #tpu.memory_space<vmem>> -> memref<128x128xf32, #tpu.memory_space<vmem>>
    %dma_start3A_34 = arith.constant 256 : i32
    %dma_start3A_35 = tpu.memref_slice %arg5[%dma_start3A_34] : memref<25600xi32, #tpu.memory_space<vmem>> -> memref<128xi32, #tpu.memory_space<vmem>>
    %dma_start3A_36 = arith.constant 0 : i32
    %dma_start3A_37 = arith.constant 0 : i32
    %dma_start3A_38 = tpu.memref_slice %arg2[%dma_start3A_36, %dma_start3A_37] : memref<100000x128xf32, #tpu.memory_space<hbm>> -> memref<100000x128xf32, #tpu.memory_space<hbm>>
    %dma_start3A_39 = tpu.memref_slice %arg7[%dma_start3A_29] : memref<5x!tpu.dma_semaphore, #tpu.memory_space<semaphore_mem>> -> memref<1x!tpu.dma_semaphore, #tpu.memory_space<semaphore_mem>>
    %dma_start3A_40 = tpu.memref_squeeze %dma_start3A_39 : memref<1x!tpu.dma_semaphore, #tpu.memory_space<semaphore_mem>> -> memref<!tpu.dma_semaphore, #tpu.memory_space<semaphore_mem>>
    tpu.enqueue_indirect_dma source(%dma_start3A_38 : memref<100000x128xf32, #tpu.memory_space<hbm>>) target(%dma_start3A_33 : memref<128x128xf32, #tpu.memory_space<vmem>>) offsets(%dma_start3A_35 : memref<128xi32, #tpu.memory_space<vmem>>) semaphore(%dma_start3A_40 : memref<!tpu.dma_semaphore, #tpu.memory_space<semaphore_mem>>)
    %dma_start3A_41 = arith.constant 3 : i32
    %dma_start3A_42 = arith.constant 3 : i32
    %dma_start3A_43 = arith.constant 0 : i32
    %dma_start3A_44 = arith.constant 0 : i32
    %dma_start3A_45 = tpu.memref_slice %arg6[%dma_start3A_41, %dma_start3A_43, %dma_start3A_44] : memref<5x128x128xf32, #tpu.memory_space<vmem>> -> memref<1x128x128xf32, #tpu.memory_space<vmem>>
    %dma_start3A_46 = tpu.memref_squeeze %dma_start3A_45 : memref<1x128x128xf32, #tpu.memory_space<vmem>> -> memref<128x128xf32, #tpu.memory_space<vmem>>
    %dma_start3A_47 = arith.constant 384 : i32
    %dma_start3A_48 = tpu.memref_slice %arg5[%dma_start3A_47] : memref<25600xi32, #tpu.memory_space<vmem>> -> memref<128xi32, #tpu.memory_space<vmem>>
    %dma_start3A_49 = arith.constant 0 : i32
    %dma_start3A_50 = arith.constant 0 : i32
    %dma_start3A_51 = tpu.memref_slice %arg2[%dma_start3A_49, %dma_start3A_50] : memref<100000x128xf32, #tpu.memory_space<hbm>> -> memref<100000x128xf32, #tpu.memory_space<hbm>>
    %dma_start3A_52 = tpu.memref_slice %arg7[%dma_start3A_42] : memref<5x!tpu.dma_semaphore, #tpu.memory_space<semaphore_mem>> -> memref<1x!tpu.dma_semaphore, #tpu.memory_space<semaphore_mem>>
    %dma_start3A_53 = tpu.memref_squeeze %dma_start3A_52 : memref<1x!tpu.dma_semaphore, #tpu.memory_space<semaphore_mem>> -> memref<!tpu.dma_semaphore, #tpu.memory_space<semaphore_mem>>
    tpu.enqueue_indirect_dma source(%dma_start3A_51 : memref<100000x128xf32, #tpu.memory_space<hbm>>) target(%dma_start3A_46 : memref<128x128xf32, #tpu.memory_space<vmem>>) offsets(%dma_start3A_48 : memref<128xi32, #tpu.memory_space<vmem>>) semaphore(%dma_start3A_53 : memref<!tpu.dma_semaphore, #tpu.memory_space<semaphore_mem>>)
    %dma_start3A_54 = arith.constant 4 : i32
    %dma_start3A_55 = arith.constant 4 : i32
    %dma_start3A_56 = arith.constant 0 : i32
    %dma_start3A_57 = arith.constant 0 : i32
    %dma_start3A_58 = tpu.memref_slice %arg6[%dma_start3A_54, %dma_start3A_56, %dma_start3A_57] : memref<5x128x128xf32, #tpu.memory_space<vmem>> -> memref<1x128x128xf32, #tpu.memory_space<vmem>>
    %dma_start3A_59 = tpu.memref_squeeze %dma_start3A_58 : memref<1x128x128xf32, #tpu.memory_space<vmem>> -> memref<128x128xf32, #tpu.memory_space<vmem>>
    %dma_start3A_60 = arith.constant 512 : i32
    %dma_start3A_61 = tpu.memref_slice %arg5[%dma_start3A_60] : memref<25600xi32, #tpu.memory_space<vmem>> -> memref<128xi32, #tpu.memory_space<vmem>>
    %dma_start3A_62 = arith.constant 0 : i32
    %dma_start3A_63 = arith.constant 0 : i32
    %dma_start3A_64 = tpu.memref_slice %arg2[%dma_start3A_62, %dma_start3A_63] : memref<100000x128xf32, #tpu.memory_space<hbm>> -> memref<100000x128xf32, #tpu.memory_space<hbm>>
    %dma_start3A_65 = tpu.memref_slice %arg7[%dma_start3A_55] : memref<5x!tpu.dma_semaphore, #tpu.memory_space<semaphore_mem>> -> memref<1x!tpu.dma_semaphore, #tpu.memory_space<semaphore_mem>>
    %dma_start3A_66 = tpu.memref_squeeze %dma_start3A_65 : memref<1x!tpu.dma_semaphore, #tpu.memory_space<semaphore_mem>> -> memref<!tpu.dma_semaphore, #tpu.memory_space<semaphore_mem>>
    tpu.enqueue_indirect_dma source(%dma_start3A_64 : memref<100000x128xf32, #tpu.memory_space<hbm>>) target(%dma_start3A_59 : memref<128x128xf32, #tpu.memory_space<vmem>>) offsets(%dma_start3A_61 : memref<128xi32, #tpu.memory_space<vmem>>) semaphore(%dma_start3A_66 : memref<!tpu.dma_semaphore, #tpu.memory_space<semaphore_mem>>)
    %scan3A = arith.constant 0 : i32
    %scan3A_67 = arith.constant 0 : i32
    %scan3A_68 = arith.constant 39 : i32
    %scan3A_69 = arith.addi %scan3A_67, %scan3A_68 : i32
    %scan3A_70 = arith.constant 1 : i32
    scf.for %scan3A_316 = %scan3A_67 to %scan3A_69 step %scan3A_70  : i32 {
      %mul3A_317 = arith.constant 5 : i32
      %mul3A_318 = arith.muli %scan3A_316, %mul3A_317 : i32
      %add3A_319 = arith.constant 0 : i32
      %add3A_320 = arith.addi %mul3A_318, %add3A_319 : i32
      %mul3A_321 = arith.constant 128 : i32
      %mul3A_322 = arith.muli %add3A_320, %mul3A_321 : i32
      %dma_wait3A_323 = arith.constant 0 : i32
      %dma_wait3A_324 = arith.constant 0 : i32
      %dma_wait3A_325 = arith.constant 0 : i32
      %dma_wait3A_326 = arith.constant 0 : i32
      %dma_wait3A_327 = tpu.memref_slice %arg6[%dma_wait3A_323, %dma_wait3A_325, %dma_wait3A_326] : memref<5x128x128xf32, #tpu.memory_space<vmem>> -> memref<1x128x128xf32, #tpu.memory_space<vmem>>
      %dma_wait3A_328 = tpu.memref_squeeze %dma_wait3A_327 : memref<1x128x128xf32, #tpu.memory_space<vmem>> -> memref<128x128xf32, #tpu.memory_space<vmem>>
      %dma_wait3A_329 = tpu.memref_slice %arg5[%mul3A_322] : memref<25600xi32, #tpu.memory_space<vmem>> -> memref<128xi32, #tpu.memory_space<vmem>>
      %dma_wait3A_330 = arith.constant 0 : i32
      %dma_wait3A_331 = arith.constant 0 : i32
      %dma_wait3A_332 = tpu.memref_slice %arg2[%dma_wait3A_330, %dma_wait3A_331] : memref<100000x128xf32, #tpu.memory_space<hbm>> -> memref<100000x128xf32, #tpu.memory_space<hbm>>
      %dma_wait3A_333 = tpu.memref_slice %arg7[%dma_wait3A_324] : memref<5x!tpu.dma_semaphore, #tpu.memory_space<semaphore_mem>> -> memref<1x!tpu.dma_semaphore, #tpu.memory_space<semaphore_mem>>
      %dma_wait3A_334 = tpu.memref_squeeze %dma_wait3A_333 : memref<1x!tpu.dma_semaphore, #tpu.memory_space<semaphore_mem>> -> memref<!tpu.dma_semaphore, #tpu.memory_space<semaphore_mem>>
      tpu.wait_indirect_dma semaphore(%dma_wait3A_334 : memref<!tpu.dma_semaphore, #tpu.memory_space<semaphore_mem>>) src(%dma_wait3A_332 : memref<100000x128xf32, #tpu.memory_space<hbm>>) dst(%dma_wait3A_328 : memref<128x128xf32, #tpu.memory_space<vmem>>)
      %mul3A_335 = arith.constant 128 : i32
      %mul3A_336 = arith.muli %add3A_320, %mul3A_335 : i32
      %add3A_337 = arith.addi %mul3A_2, %mul3A_336 : i32
      %dma_start3A_338 = arith.constant 0 : i32
      %dma_start3A_339 = arith.constant 0 : i32
      %dma_start3A_340 = arith.constant 0 : i32
      %dma_start3A_341 = arith.constant 0 : i32
      %dma_start3A_342 = tpu.memref_slice %arg6[%dma_start3A_338, %dma_start3A_340, %dma_start3A_341] : memref<5x128x128xf32, #tpu.memory_space<vmem>> -> memref<1x128x128xf32, #tpu.memory_space<vmem>>
      %dma_start3A_343 = tpu.memref_squeeze %dma_start3A_342 : memref<1x128x128xf32, #tpu.memory_space<vmem>> -> memref<128x128xf32, #tpu.memory_space<vmem>>
      %dma_start3A_344 = arith.constant 0 : i32
      %dma_start3A_345 = tpu.memref_slice %arg4[%add3A_337, %dma_start3A_344] : memref<819200x128xf32, #tpu.memory_space<hbm>> -> memref<128x128xf32, #tpu.memory_space<hbm>>
      %dma_start3A_346 = tpu.memref_slice %arg8[%dma_start3A_339] : memref<5x!tpu.dma_semaphore, #tpu.memory_space<semaphore_mem>> -> memref<1x!tpu.dma_semaphore, #tpu.memory_space<semaphore_mem>>
      %dma_start3A_347 = tpu.memref_squeeze %dma_start3A_346 : memref<1x!tpu.dma_semaphore, #tpu.memory_space<semaphore_mem>> -> memref<!tpu.dma_semaphore, #tpu.memory_space<semaphore_mem>>
      %dma_start3A_348 = arith.constant 0 : i32
      %dma_start3A_349 = tpu.memref_slice %arg4[%add3A_337, %dma_start3A_348] : memref<819200x128xf32, #tpu.memory_space<hbm>> -> memref<128x128xf32, #tpu.memory_space<hbm>>
      %dma_start3A_350 = arith.constant 0 : i32
      %dma_start3A_351 = arith.constant 0 : i32
      %dma_start3A_352 = tpu.memref_slice %arg6[%dma_start3A_338, %dma_start3A_350, %dma_start3A_351] : memref<5x128x128xf32, #tpu.memory_space<vmem>> -> memref<1x128x128xf32, #tpu.memory_space<vmem>>
      %dma_start3A_353 = tpu.memref_squeeze %dma_start3A_352 : memref<1x128x128xf32, #tpu.memory_space<vmem>> -> memref<128x128xf32, #tpu.memory_space<vmem>>
      tpu.enqueue_dma source(%dma_start3A_353 : memref<128x128xf32, #tpu.memory_space<vmem>>) target(%dma_start3A_349 : memref<128x128xf32, #tpu.memory_space<hbm>>) target_semaphore(%dma_start3A_347 : memref<!tpu.dma_semaphore, #tpu.memory_space<semaphore_mem>>)
      %add3A_354 = arith.constant 1 : i32
      %add3A_355 = arith.addi %mul3A_318, %add3A_354 : i32
      %mul3A_356 = arith.constant 128 : i32
      %mul3A_357 = arith.muli %add3A_355, %mul3A_356 : i32
      %dma_wait3A_358 = arith.constant 1 : i32
      %dma_wait3A_359 = arith.constant 1 : i32
      %dma_wait3A_360 = arith.constant 0 : i32
      %dma_wait3A_361 = arith.constant 0 : i32
      %dma_wait3A_362 = tpu.memref_slice %arg6[%dma_wait3A_358, %dma_wait3A_360, %dma_wait3A_361] : memref<5x128x128xf32, #tpu.memory_space<vmem>> -> memref<1x128x128xf32, #tpu.memory_space<vmem>>
      %dma_wait3A_363 = tpu.memref_squeeze %dma_wait3A_362 : memref<1x128x128xf32, #tpu.memory_space<vmem>> -> memref<128x128xf32, #tpu.memory_space<vmem>>
      %dma_wait3A_364 = tpu.memref_slice %arg5[%mul3A_357] : memref<25600xi32, #tpu.memory_space<vmem>> -> memref<128xi32, #tpu.memory_space<vmem>>
      %dma_wait3A_365 = arith.constant 0 : i32
      %dma_wait3A_366 = arith.constant 0 : i32
      %dma_wait3A_367 = tpu.memref_slice %arg2[%dma_wait3A_365, %dma_wait3A_366] : memref<100000x128xf32, #tpu.memory_space<hbm>> -> memref<100000x128xf32, #tpu.memory_space<hbm>>
      %dma_wait3A_368 = tpu.memref_slice %arg7[%dma_wait3A_359] : memref<5x!tpu.dma_semaphore, #tpu.memory_space<semaphore_mem>> -> memref<1x!tpu.dma_semaphore, #tpu.memory_space<semaphore_mem>>
      %dma_wait3A_369 = tpu.memref_squeeze %dma_wait3A_368 : memref<1x!tpu.dma_semaphore, #tpu.memory_space<semaphore_mem>> -> memref<!tpu.dma_semaphore, #tpu.memory_space<semaphore_mem>>
      tpu.wait_indirect_dma semaphore(%dma_wait3A_369 : memref<!tpu.dma_semaphore, #tpu.memory_space<semaphore_mem>>) src(%dma_wait3A_367 : memref<100000x128xf32, #tpu.memory_space<hbm>>) dst(%dma_wait3A_363 : memref<128x128xf32, #tpu.memory_space<vmem>>)
      %mul3A_370 = arith.constant 128 : i32
      %mul3A_371 = arith.muli %add3A_355, %mul3A_370 : i32
      %add3A_372 = arith.addi %mul3A_2, %mul3A_371 : i32
      %dma_start3A_373 = arith.constant 1 : i32
      %dma_start3A_374 = arith.constant 1 : i32
      %dma_start3A_375 = arith.constant 0 : i32
      %dma_start3A_376 = arith.constant 0 : i32
      %dma_start3A_377 = tpu.memref_slice %arg6[%dma_start3A_373, %dma_start3A_375, %dma_start3A_376] : memref<5x128x128xf32, #tpu.memory_space<vmem>> -> memref<1x128x128xf32, #tpu.memory_space<vmem>>
      %dma_start3A_378 = tpu.memref_squeeze %dma_start3A_377 : memref<1x128x128xf32, #tpu.memory_space<vmem>> -> memref<128x128xf32, #tpu.memory_space<vmem>>
      %dma_start3A_379 = arith.constant 0 : i32
      %dma_start3A_380 = tpu.memref_slice %arg4[%add3A_372, %dma_start3A_379] : memref<819200x128xf32, #tpu.memory_space<hbm>> -> memref<128x128xf32, #tpu.memory_space<hbm>>
      %dma_start3A_381 = tpu.memref_slice %arg8[%dma_start3A_374] : memref<5x!tpu.dma_semaphore, #tpu.memory_space<semaphore_mem>> -> memref<1x!tpu.dma_semaphore, #tpu.memory_space<semaphore_mem>>
      %dma_start3A_382 = tpu.memref_squeeze %dma_start3A_381 : memref<1x!tpu.dma_semaphore, #tpu.memory_space<semaphore_mem>> -> memref<!tpu.dma_semaphore, #tpu.memory_space<semaphore_mem>>
      %dma_start3A_383 = arith.constant 0 : i32
      %dma_start3A_384 = tpu.memref_slice %arg4[%add3A_372, %dma_start3A_383] : memref<819200x128xf32, #tpu.memory_space<hbm>> -> memref<128x128xf32, #tpu.memory_space<hbm>>
      %dma_start3A_385 = arith.constant 0 : i32
      %dma_start3A_386 = arith.constant 0 : i32
      %dma_start3A_387 = tpu.memref_slice %arg6[%dma_start3A_373, %dma_start3A_385, %dma_start3A_386] : memref<5x128x128xf32, #tpu.memory_space<vmem>> -> memref<1x128x128xf32, #tpu.memory_space<vmem>>
      %dma_start3A_388 = tpu.memref_squeeze %dma_start3A_387 : memref<1x128x128xf32, #tpu.memory_space<vmem>> -> memref<128x128xf32, #tpu.memory_space<vmem>>
      tpu.enqueue_dma source(%dma_start3A_388 : memref<128x128xf32, #tpu.memory_space<vmem>>) target(%dma_start3A_384 : memref<128x128xf32, #tpu.memory_space<hbm>>) target_semaphore(%dma_start3A_382 : memref<!tpu.dma_semaphore, #tpu.memory_space<semaphore_mem>>)
      %add3A_389 = arith.constant 2 : i32
      %add3A_390 = arith.addi %mul3A_318, %add3A_389 : i32
      %mul3A_391 = arith.constant 128 : i32
      %mul3A_392 = arith.muli %add3A_390, %mul3A_391 : i32
      %dma_wait3A_393 = arith.constant 2 : i32
      %dma_wait3A_394 = arith.constant 2 : i32
      %dma_wait3A_395 = arith.constant 0 : i32
      %dma_wait3A_396 = arith.constant 0 : i32
      %dma_wait3A_397 = tpu.memref_slice %arg6[%dma_wait3A_393, %dma_wait3A_395, %dma_wait3A_396] : memref<5x128x128xf32, #tpu.memory_space<vmem>> -> memref<1x128x128xf32, #tpu.memory_space<vmem>>
      %dma_wait3A_398 = tpu.memref_squeeze %dma_wait3A_397 : memref<1x128x128xf32, #tpu.memory_space<vmem>> -> memref<128x128xf32, #tpu.memory_space<vmem>>
      %dma_wait3A_399 = tpu.memref_slice %arg5[%mul3A_392] : memref<25600xi32, #tpu.memory_space<vmem>> -> memref<128xi32, #tpu.memory_space<vmem>>
      %dma_wait3A_400 = arith.constant 0 : i32
      %dma_wait3A_401 = arith.constant 0 : i32
      %dma_wait3A_402 = tpu.memref_slice %arg2[%dma_wait3A_400, %dma_wait3A_401] : memref<100000x128xf32, #tpu.memory_space<hbm>> -> memref<100000x128xf32, #tpu.memory_space<hbm>>
      %dma_wait3A_403 = tpu.memref_slice %arg7[%dma_wait3A_394] : memref<5x!tpu.dma_semaphore, #tpu.memory_space<semaphore_mem>> -> memref<1x!tpu.dma_semaphore, #tpu.memory_space<semaphore_mem>>
      %dma_wait3A_404 = tpu.memref_squeeze %dma_wait3A_403 : memref<1x!tpu.dma_semaphore, #tpu.memory_space<semaphore_mem>> -> memref<!tpu.dma_semaphore, #tpu.memory_space<semaphore_mem>>
      tpu.wait_indirect_dma semaphore(%dma_wait3A_404 : memref<!tpu.dma_semaphore, #tpu.memory_space<semaphore_mem>>) src(%dma_wait3A_402 : memref<100000x128xf32, #tpu.memory_space<hbm>>) dst(%dma_wait3A_398 : memref<128x128xf32, #tpu.memory_space<vmem>>)
      %mul3A_405 = arith.constant 128 : i32
      %mul3A_406 = arith.muli %add3A_390, %mul3A_405 : i32
      %add3A_407 = arith.addi %mul3A_2, %mul3A_406 : i32
      %dma_start3A_408 = arith.constant 2 : i32
      %dma_start3A_409 = arith.constant 2 : i32
      %dma_start3A_410 = arith.constant 0 : i32
      %dma_start3A_411 = arith.constant 0 : i32
      %dma_start3A_412 = tpu.memref_slice %arg6[%dma_start3A_408, %dma_start3A_410, %dma_start3A_411] : memref<5x128x128xf32, #tpu.memory_space<vmem>> -> memref<1x128x128xf32, #tpu.memory_space<vmem>>
      %dma_start3A_413 = tpu.memref_squeeze %dma_start3A_412 : memref<1x128x128xf32, #tpu.memory_space<vmem>> -> memref<128x128xf32, #tpu.memory_space<vmem>>
      %dma_start3A_414 = arith.constant 0 : i32
      %dma_start3A_415 = tpu.memref_slice %arg4[%add3A_407, %dma_start3A_414] : memref<819200x128xf32, #tpu.memory_space<hbm>> -> memref<128x128xf32, #tpu.memory_space<hbm>>
      %dma_start3A_416 = tpu.memref_slice %arg8[%dma_start3A_409] : memref<5x!tpu.dma_semaphore, #tpu.memory_space<semaphore_mem>> -> memref<1x!tpu.dma_semaphore, #tpu.memory_space<semaphore_mem>>
      %dma_start3A_417 = tpu.memref_squeeze %dma_start3A_416 : memref<1x!tpu.dma_semaphore, #tpu.memory_space<semaphore_mem>> -> memref<!tpu.dma_semaphore, #tpu.memory_space<semaphore_mem>>
      %dma_start3A_418 = arith.constant 0 : i32
      %dma_start3A_419 = tpu.memref_slice %arg4[%add3A_407, %dma_start3A_418] : memref<819200x128xf32, #tpu.memory_space<hbm>> -> memref<128x128xf32, #tpu.memory_space<hbm>>
      %dma_start3A_420 = arith.constant 0 : i32
      %dma_start3A_421 = arith.constant 0 : i32
      %dma_start3A_422 = tpu.memref_slice %arg6[%dma_start3A_408, %dma_start3A_420, %dma_start3A_421] : memref<5x128x128xf32, #tpu.memory_space<vmem>> -> memref<1x128x128xf32, #tpu.memory_space<vmem>>
      %dma_start3A_423 = tpu.memref_squeeze %dma_start3A_422 : memref<1x128x128xf32, #tpu.memory_space<vmem>> -> memref<128x128xf32, #tpu.memory_space<vmem>>
      tpu.enqueue_dma source(%dma_start3A_423 : memref<128x128xf32, #tpu.memory_space<vmem>>) target(%dma_start3A_419 : memref<128x128xf32, #tpu.memory_space<hbm>>) target_semaphore(%dma_start3A_417 : memref<!tpu.dma_semaphore, #tpu.memory_space<semaphore_mem>>)
      %add3A_424 = arith.constant 3 : i32
      %add3A_425 = arith.addi %mul3A_318, %add3A_424 : i32
      %mul3A_426 = arith.constant 128 : i32
      %mul3A_427 = arith.muli %add3A_425, %mul3A_426 : i32
      %dma_wait3A_428 = arith.constant 3 : i32
      %dma_wait3A_429 = arith.constant 3 : i32
      %dma_wait3A_430 = arith.constant 0 : i32
      %dma_wait3A_431 = arith.constant 0 : i32
      %dma_wait3A_432 = tpu.memref_slice %arg6[%dma_wait3A_428, %dma_wait3A_430, %dma_wait3A_431] : memref<5x128x128xf32, #tpu.memory_space<vmem>> -> memref<1x128x128xf32, #tpu.memory_space<vmem>>
      %dma_wait3A_433 = tpu.memref_squeeze %dma_wait3A_432 : memref<1x128x128xf32, #tpu.memory_space<vmem>> -> memref<128x128xf32, #tpu.memory_space<vmem>>
      %dma_wait3A_434 = tpu.memref_slice %arg5[%mul3A_427] : memref<25600xi32, #tpu.memory_space<vmem>> -> memref<128xi32, #tpu.memory_space<vmem>>
      %dma_wait3A_435 = arith.constant 0 : i32
      %dma_wait3A_436 = arith.constant 0 : i32
      %dma_wait3A_437 = tpu.memref_slice %arg2[%dma_wait3A_435, %dma_wait3A_436] : memref<100000x128xf32, #tpu.memory_space<hbm>> -> memref<100000x128xf32, #tpu.memory_space<hbm>>
      %dma_wait3A_438 = tpu.memref_slice %arg7[%dma_wait3A_429] : memref<5x!tpu.dma_semaphore, #tpu.memory_space<semaphore_mem>> -> memref<1x!tpu.dma_semaphore, #tpu.memory_space<semaphore_mem>>
      %dma_wait3A_439 = tpu.memref_squeeze %dma_wait3A_438 : memref<1x!tpu.dma_semaphore, #tpu.memory_space<semaphore_mem>> -> memref<!tpu.dma_semaphore, #tpu.memory_space<semaphore_mem>>
      tpu.wait_indirect_dma semaphore(%dma_wait3A_439 : memref<!tpu.dma_semaphore, #tpu.memory_space<semaphore_mem>>) src(%dma_wait3A_437 : memref<100000x128xf32, #tpu.memory_space<hbm>>) dst(%dma_wait3A_433 : memref<128x128xf32, #tpu.memory_space<vmem>>)
      %mul3A_440 = arith.constant 128 : i32
      %mul3A_441 = arith.muli %add3A_425, %mul3A_440 : i32
      %add3A_442 = arith.addi %mul3A_2, %mul3A_441 : i32
      %dma_start3A_443 = arith.constant 3 : i32
      %dma_start3A_444 = arith.constant 3 : i32
      %dma_start3A_445 = arith.constant 0 : i32
      %dma_start3A_446 = arith.constant 0 : i32
      %dma_start3A_447 = tpu.memref_slice %arg6[%dma_start3A_443, %dma_start3A_445, %dma_start3A_446] : memref<5x128x128xf32, #tpu.memory_space<vmem>> -> memref<1x128x128xf32, #tpu.memory_space<vmem>>
      %dma_start3A_448 = tpu.memref_squeeze %dma_start3A_447 : memref<1x128x128xf32, #tpu.memory_space<vmem>> -> memref<128x128xf32, #tpu.memory_space<vmem>>
      %dma_start3A_449 = arith.constant 0 : i32
      %dma_start3A_450 = tpu.memref_slice %arg4[%add3A_442, %dma_start3A_449] : memref<819200x128xf32, #tpu.memory_space<hbm>> -> memref<128x128xf32, #tpu.memory_space<hbm>>
      %dma_start3A_451 = tpu.memref_slice %arg8[%dma_start3A_444] : memref<5x!tpu.dma_semaphore, #tpu.memory_space<semaphore_mem>> -> memref<1x!tpu.dma_semaphore, #tpu.memory_space<semaphore_mem>>
      %dma_start3A_452 = tpu.memref_squeeze %dma_start3A_451 : memref<1x!tpu.dma_semaphore, #tpu.memory_space<semaphore_mem>> -> memref<!tpu.dma_semaphore, #tpu.memory_space<semaphore_mem>>
      %dma_start3A_453 = arith.constant 0 : i32
      %dma_start3A_454 = tpu.memref_slice %arg4[%add3A_442, %dma_start3A_453] : memref<819200x128xf32, #tpu.memory_space<hbm>> -> memref<128x128xf32, #tpu.memory_space<hbm>>
      %dma_start3A_455 = arith.constant 0 : i32
      %dma_start3A_456 = arith.constant 0 : i32
      %dma_start3A_457 = tpu.memref_slice %arg6[%dma_start3A_443, %dma_start3A_455, %dma_start3A_456] : memref<5x128x128xf32, #tpu.memory_space<vmem>> -> memref<1x128x128xf32, #tpu.memory_space<vmem>>
      %dma_start3A_458 = tpu.memref_squeeze %dma_start3A_457 : memref<1x128x128xf32, #tpu.memory_space<vmem>> -> memref<128x128xf32, #tpu.memory_space<vmem>>
      tpu.enqueue_dma source(%dma_start3A_458 : memref<128x128xf32, #tpu.memory_space<vmem>>) target(%dma_start3A_454 : memref<128x128xf32, #tpu.memory_space<hbm>>) target_semaphore(%dma_start3A_452 : memref<!tpu.dma_semaphore, #tpu.memory_space<semaphore_mem>>)
      %add3A_459 = arith.constant 4 : i32
      %add3A_460 = arith.addi %mul3A_318, %add3A_459 : i32
      %mul3A_461 = arith.constant 128 : i32
      %mul3A_462 = arith.muli %add3A_460, %mul3A_461 : i32
      %dma_wait3A_463 = arith.constant 4 : i32
      %dma_wait3A_464 = arith.constant 4 : i32
      %dma_wait3A_465 = arith.constant 0 : i32
      %dma_wait3A_466 = arith.constant 0 : i32
      %dma_wait3A_467 = tpu.memref_slice %arg6[%dma_wait3A_463, %dma_wait3A_465, %dma_wait3A_466] : memref<5x128x128xf32, #tpu.memory_space<vmem>> -> memref<1x128x128xf32, #tpu.memory_space<vmem>>
      %dma_wait3A_468 = tpu.memref_squeeze %dma_wait3A_467 : memref<1x128x128xf32, #tpu.memory_space<vmem>> -> memref<128x128xf32, #tpu.memory_space<vmem>>
      %dma_wait3A_469 = tpu.memref_slice %arg5[%mul3A_462] : memref<25600xi32, #tpu.memory_space<vmem>> -> memref<128xi32, #tpu.memory_space<vmem>>
      %dma_wait3A_470 = arith.constant 0 : i32
      %dma_wait3A_471 = arith.constant 0 : i32
      %dma_wait3A_472 = tpu.memref_slice %arg2[%dma_wait3A_470, %dma_wait3A_471] : memref<100000x128xf32, #tpu.memory_space<hbm>> -> memref<100000x128xf32, #tpu.memory_space<hbm>>
      %dma_wait3A_473 = tpu.memref_slice %arg7[%dma_wait3A_464] : memref<5x!tpu.dma_semaphore, #tpu.memory_space<semaphore_mem>> -> memref<1x!tpu.dma_semaphore, #tpu.memory_space<semaphore_mem>>
      %dma_wait3A_474 = tpu.memref_squeeze %dma_wait3A_473 : memref<1x!tpu.dma_semaphore, #tpu.memory_space<semaphore_mem>> -> memref<!tpu.dma_semaphore, #tpu.memory_space<semaphore_mem>>
      tpu.wait_indirect_dma semaphore(%dma_wait3A_474 : memref<!tpu.dma_semaphore, #tpu.memory_space<semaphore_mem>>) src(%dma_wait3A_472 : memref<100000x128xf32, #tpu.memory_space<hbm>>) dst(%dma_wait3A_468 : memref<128x128xf32, #tpu.memory_space<vmem>>)
      %mul3A_475 = arith.constant 128 : i32
      %mul3A_476 = arith.muli %add3A_460, %mul3A_475 : i32
      %add3A_477 = arith.addi %mul3A_2, %mul3A_476 : i32
      %dma_start3A_478 = arith.constant 4 : i32
      %dma_start3A_479 = arith.constant 4 : i32
      %dma_start3A_480 = arith.constant 0 : i32
      %dma_start3A_481 = arith.constant 0 : i32
      %dma_start3A_482 = tpu.memref_slice %arg6[%dma_start3A_478, %dma_start3A_480, %dma_start3A_481] : memref<5x128x128xf32, #tpu.memory_space<vmem>> -> memref<1x128x128xf32, #tpu.memory_space<vmem>>
      %dma_start3A_483 = tpu.memref_squeeze %dma_start3A_482 : memref<1x128x128xf32, #tpu.memory_space<vmem>> -> memref<128x128xf32, #tpu.memory_space<vmem>>
      %dma_start3A_484 = arith.constant 0 : i32
      %dma_start3A_485 = tpu.memref_slice %arg4[%add3A_477, %dma_start3A_484] : memref<819200x128xf32, #tpu.memory_space<hbm>> -> memref<128x128xf32, #tpu.memory_space<hbm>>
      %dma_start3A_486 = tpu.memref_slice %arg8[%dma_start3A_479] : memref<5x!tpu.dma_semaphore, #tpu.memory_space<semaphore_mem>> -> memref<1x!tpu.dma_semaphore, #tpu.memory_space<semaphore_mem>>
      %dma_start3A_487 = tpu.memref_squeeze %dma_start3A_486 : memref<1x!tpu.dma_semaphore, #tpu.memory_space<semaphore_mem>> -> memref<!tpu.dma_semaphore, #tpu.memory_space<semaphore_mem>>
      %dma_start3A_488 = arith.constant 0 : i32
      %dma_start3A_489 = tpu.memref_slice %arg4[%add3A_477, %dma_start3A_488] : memref<819200x128xf32, #tpu.memory_space<hbm>> -> memref<128x128xf32, #tpu.memory_space<hbm>>
      %dma_start3A_490 = arith.constant 0 : i32
      %dma_start3A_491 = arith.constant 0 : i32
      %dma_start3A_492 = tpu.memref_slice %arg6[%dma_start3A_478, %dma_start3A_490, %dma_start3A_491] : memref<5x128x128xf32, #tpu.memory_space<vmem>> -> memref<1x128x128xf32, #tpu.memory_space<vmem>>
      %dma_start3A_493 = tpu.memref_squeeze %dma_start3A_492 : memref<1x128x128xf32, #tpu.memory_space<vmem>> -> memref<128x128xf32, #tpu.memory_space<vmem>>
      tpu.enqueue_dma source(%dma_start3A_493 : memref<128x128xf32, #tpu.memory_space<vmem>>) target(%dma_start3A_489 : memref<128x128xf32, #tpu.memory_space<hbm>>) target_semaphore(%dma_start3A_487 : memref<!tpu.dma_semaphore, #tpu.memory_space<semaphore_mem>>)
      %add3A_494 = arith.constant 0 : i32
      %add3A_495 = arith.addi %mul3A_318, %add3A_494 : i32
      %mul3A_496 = arith.constant 128 : i32
      %mul3A_497 = arith.muli %add3A_495, %mul3A_496 : i32
      %add3A_498 = arith.addi %mul3A_2, %mul3A_497 : i32
      %dma_wait3A_499 = arith.constant 0 : i32
      %dma_wait3A_500 = arith.constant 0 : i32
      %dma_wait3A_501 = arith.constant 0 : i32
      %dma_wait3A_502 = arith.constant 0 : i32
      %dma_wait3A_503 = tpu.memref_slice %arg6[%dma_wait3A_499, %dma_wait3A_501, %dma_wait3A_502] : memref<5x128x128xf32, #tpu.memory_space<vmem>> -> memref<1x128x128xf32, #tpu.memory_space<vmem>>
      %dma_wait3A_504 = tpu.memref_squeeze %dma_wait3A_503 : memref<1x128x128xf32, #tpu.memory_space<vmem>> -> memref<128x128xf32, #tpu.memory_space<vmem>>
      %dma_wait3A_505 = arith.constant 0 : i32
      %dma_wait3A_506 = tpu.memref_slice %arg4[%add3A_498, %dma_wait3A_505] : memref<819200x128xf32, #tpu.memory_space<hbm>> -> memref<128x128xf32, #tpu.memory_space<hbm>>
      %dma_wait3A_507 = tpu.memref_slice %arg8[%dma_wait3A_500] : memref<5x!tpu.dma_semaphore, #tpu.memory_space<semaphore_mem>> -> memref<1x!tpu.dma_semaphore, #tpu.memory_space<semaphore_mem>>
      %dma_wait3A_508 = tpu.memref_squeeze %dma_wait3A_507 : memref<1x!tpu.dma_semaphore, #tpu.memory_space<semaphore_mem>> -> memref<!tpu.dma_semaphore, #tpu.memory_space<semaphore_mem>>
      %dma_wait3A_509 = arith.constant 0 : i32
      %dma_wait3A_510 = tpu.memref_slice %arg4[%add3A_498, %dma_wait3A_509] : memref<819200x128xf32, #tpu.memory_space<hbm>> -> memref<128x128xf32, #tpu.memory_space<hbm>>
      %dma_wait3A_511 = arith.constant 0 : i32
      %dma_wait3A_512 = arith.constant 0 : i32
      %dma_wait3A_513 = tpu.memref_slice %arg6[%dma_wait3A_499, %dma_wait3A_511, %dma_wait3A_512] : memref<5x128x128xf32, #tpu.memory_space<vmem>> -> memref<1x128x128xf32, #tpu.memory_space<vmem>>
      %dma_wait3A_514 = tpu.memref_squeeze %dma_wait3A_513 : memref<1x128x128xf32, #tpu.memory_space<vmem>> -> memref<128x128xf32, #tpu.memory_space<vmem>>
      tpu.wait_dma2 semaphore(%dma_wait3A_508 : memref<!tpu.dma_semaphore, #tpu.memory_space<semaphore_mem>>) src(%dma_wait3A_514 : memref<128x128xf32, #tpu.memory_space<vmem>>) dst(%dma_wait3A_510 : memref<128x128xf32, #tpu.memory_space<hbm>>)
      %add3A_515 = arith.constant 5 : i32
      %add3A_516 = arith.addi %add3A_495, %add3A_515 : i32
      %mul3A_517 = arith.constant 128 : i32
      %mul3A_518 = arith.muli %add3A_516, %mul3A_517 : i32
      %dma_start3A_519 = arith.constant 0 : i32
      %dma_start3A_520 = arith.constant 0 : i32
      %dma_start3A_521 = arith.constant 0 : i32
      %dma_start3A_522 = arith.constant 0 : i32
      %dma_start3A_523 = tpu.memref_slice %arg6[%dma_start3A_519, %dma_start3A_521, %dma_start3A_522] : memref<5x128x128xf32, #tpu.memory_space<vmem>> -> memref<1x128x128xf32, #tpu.memory_space<vmem>>
      %dma_start3A_524 = tpu.memref_squeeze %dma_start3A_523 : memref<1x128x128xf32, #tpu.memory_space<vmem>> -> memref<128x128xf32, #tpu.memory_space<vmem>>
      %dma_start3A_525 = tpu.memref_slice %arg5[%mul3A_518] : memref<25600xi32, #tpu.memory_space<vmem>> -> memref<128xi32, #tpu.memory_space<vmem>>
      %dma_start3A_526 = arith.constant 0 : i32
      %dma_start3A_527 = arith.constant 0 : i32
      %dma_start3A_528 = tpu.memref_slice %arg2[%dma_start3A_526, %dma_start3A_527] : memref<100000x128xf32, #tpu.memory_space<hbm>> -> memref<100000x128xf32, #tpu.memory_space<hbm>>
      %dma_start3A_529 = tpu.memref_slice %arg7[%dma_start3A_520] : memref<5x!tpu.dma_semaphore, #tpu.memory_space<semaphore_mem>> -> memref<1x!tpu.dma_semaphore, #tpu.memory_space<semaphore_mem>>
      %dma_start3A_530 = tpu.memref_squeeze %dma_start3A_529 : memref<1x!tpu.dma_semaphore, #tpu.memory_space<semaphore_mem>> -> memref<!tpu.dma_semaphore, #tpu.memory_space<semaphore_mem>>
      tpu.enqueue_indirect_dma source(%dma_start3A_528 : memref<100000x128xf32, #tpu.memory_space<hbm>>) target(%dma_start3A_524 : memref<128x128xf32, #tpu.memory_space<vmem>>) offsets(%dma_start3A_525 : memref<128xi32, #tpu.memory_space<vmem>>) semaphore(%dma_start3A_530 : memref<!tpu.dma_semaphore, #tpu.memory_space<semaphore_mem>>)
      %add3A_531 = arith.constant 1 : i32
      %add3A_532 = arith.addi %mul3A_318, %add3A_531 : i32
      %mul3A_533 = arith.constant 128 : i32
      %mul3A_534 = arith.muli %add3A_532, %mul3A_533 : i32
      %add3A_535 = arith.addi %mul3A_2, %mul3A_534 : i32
      %dma_wait3A_536 = arith.constant 1 : i32
      %dma_wait3A_537 = arith.constant 1 : i32
      %dma_wait3A_538 = arith.constant 0 : i32
      %dma_wait3A_539 = arith.constant 0 : i32
      %dma_wait3A_540 = tpu.memref_slice %arg6[%dma_wait3A_536, %dma_wait3A_538, %dma_wait3A_539] : memref<5x128x128xf32, #tpu.memory_space<vmem>> -> memref<1x128x128xf32, #tpu.memory_space<vmem>>
      %dma_wait3A_541 = tpu.memref_squeeze %dma_wait3A_540 : memref<1x128x128xf32, #tpu.memory_space<vmem>> -> memref<128x128xf32, #tpu.memory_space<vmem>>
      %dma_wait3A_542 = arith.constant 0 : i32
      %dma_wait3A_543 = tpu.memref_slice %arg4[%add3A_535, %dma_wait3A_542] : memref<819200x128xf32, #tpu.memory_space<hbm>> -> memref<128x128xf32, #tpu.memory_space<hbm>>
      %dma_wait3A_544 = tpu.memref_slice %arg8[%dma_wait3A_537] : memref<5x!tpu.dma_semaphore, #tpu.memory_space<semaphore_mem>> -> memref<1x!tpu.dma_semaphore, #tpu.memory_space<semaphore_mem>>
      %dma_wait3A_545 = tpu.memref_squeeze %dma_wait3A_544 : memref<1x!tpu.dma_semaphore, #tpu.memory_space<semaphore_mem>> -> memref<!tpu.dma_semaphore, #tpu.memory_space<semaphore_mem>>
      %dma_wait3A_546 = arith.constant 0 : i32
      %dma_wait3A_547 = tpu.memref_slice %arg4[%add3A_535, %dma_wait3A_546] : memref<819200x128xf32, #tpu.memory_space<hbm>> -> memref<128x128xf32, #tpu.memory_space<hbm>>
      %dma_wait3A_548 = arith.constant 0 : i32
      %dma_wait3A_549 = arith.constant 0 : i32
      %dma_wait3A_550 = tpu.memref_slice %arg6[%dma_wait3A_536, %dma_wait3A_548, %dma_wait3A_549] : memref<5x128x128xf32, #tpu.memory_space<vmem>> -> memref<1x128x128xf32, #tpu.memory_space<vmem>>
      %dma_wait3A_551 = tpu.memref_squeeze %dma_wait3A_550 : memref<1x128x128xf32, #tpu.memory_space<vmem>> -> memref<128x128xf32, #tpu.memory_space<vmem>>
      tpu.wait_dma2 semaphore(%dma_wait3A_545 : memref<!tpu.dma_semaphore, #tpu.memory_space<semaphore_mem>>) src(%dma_wait3A_551 : memref<128x128xf32, #tpu.memory_space<vmem>>) dst(%dma_wait3A_547 : memref<128x128xf32, #tpu.memory_space<hbm>>)
      %add3A_552 = arith.constant 5 : i32
      %add3A_553 = arith.addi %add3A_532, %add3A_552 : i32
      %mul3A_554 = arith.constant 128 : i32
      %mul3A_555 = arith.muli %add3A_553, %mul3A_554 : i32
      %dma_start3A_556 = arith.constant 1 : i32
      %dma_start3A_557 = arith.constant 1 : i32
      %dma_start3A_558 = arith.constant 0 : i32
      %dma_start3A_559 = arith.constant 0 : i32
      %dma_start3A_560 = tpu.memref_slice %arg6[%dma_start3A_556, %dma_start3A_558, %dma_start3A_559] : memref<5x128x128xf32, #tpu.memory_space<vmem>> -> memref<1x128x128xf32, #tpu.memory_space<vmem>>
      %dma_start3A_561 = tpu.memref_squeeze %dma_start3A_560 : memref<1x128x128xf32, #tpu.memory_space<vmem>> -> memref<128x128xf32, #tpu.memory_space<vmem>>
      %dma_start3A_562 = tpu.memref_slice %arg5[%mul3A_555] : memref<25600xi32, #tpu.memory_space<vmem>> -> memref<128xi32, #tpu.memory_space<vmem>>
      %dma_start3A_563 = arith.constant 0 : i32
      %dma_start3A_564 = arith.constant 0 : i32
      %dma_start3A_565 = tpu.memref_slice %arg2[%dma_start3A_563, %dma_start3A_564] : memref<100000x128xf32, #tpu.memory_space<hbm>> -> memref<100000x128xf32, #tpu.memory_space<hbm>>
      %dma_start3A_566 = tpu.memref_slice %arg7[%dma_start3A_557] : memref<5x!tpu.dma_semaphore, #tpu.memory_space<semaphore_mem>> -> memref<1x!tpu.dma_semaphore, #tpu.memory_space<semaphore_mem>>
      %dma_start3A_567 = tpu.memref_squeeze %dma_start3A_566 : memref<1x!tpu.dma_semaphore, #tpu.memory_space<semaphore_mem>> -> memref<!tpu.dma_semaphore, #tpu.memory_space<semaphore_mem>>
      tpu.enqueue_indirect_dma source(%dma_start3A_565 : memref<100000x128xf32, #tpu.memory_space<hbm>>) target(%dma_start3A_561 : memref<128x128xf32, #tpu.memory_space<vmem>>) offsets(%dma_start3A_562 : memref<128xi32, #tpu.memory_space<vmem>>) semaphore(%dma_start3A_567 : memref<!tpu.dma_semaphore, #tpu.memory_space<semaphore_mem>>)
      %add3A_568 = arith.constant 2 : i32
      %add3A_569 = arith.addi %mul3A_318, %add3A_568 : i32
      %mul3A_570 = arith.constant 128 : i32
      %mul3A_571 = arith.muli %add3A_569, %mul3A_570 : i32
      %add3A_572 = arith.addi %mul3A_2, %mul3A_571 : i32
      %dma_wait3A_573 = arith.constant 2 : i32
      %dma_wait3A_574 = arith.constant 2 : i32
      %dma_wait3A_575 = arith.constant 0 : i32
      %dma_wait3A_576 = arith.constant 0 : i32
      %dma_wait3A_577 = tpu.memref_slice %arg6[%dma_wait3A_573, %dma_wait3A_575, %dma_wait3A_576] : memref<5x128x128xf32, #tpu.memory_space<vmem>> -> memref<1x128x128xf32, #tpu.memory_space<vmem>>
      %dma_wait3A_578 = tpu.memref_squeeze %dma_wait3A_577 : memref<1x128x128xf32, #tpu.memory_space<vmem>> -> memref<128x128xf32, #tpu.memory_space<vmem>>
      %dma_wait3A_579 = arith.constant 0 : i32
      %dma_wait3A_580 = tpu.memref_slice %arg4[%add3A_572, %dma_wait3A_579] : memref<819200x128xf32, #tpu.memory_space<hbm>> -> memref<128x128xf32, #tpu.memory_space<hbm>>
      %dma_wait3A_581 = tpu.memref_slice %arg8[%dma_wait3A_574] : memref<5x!tpu.dma_semaphore, #tpu.memory_space<semaphore_mem>> -> memref<1x!tpu.dma_semaphore, #tpu.memory_space<semaphore_mem>>
      %dma_wait3A_582 = tpu.memref_squeeze %dma_wait3A_581 : memref<1x!tpu.dma_semaphore, #tpu.memory_space<semaphore_mem>> -> memref<!tpu.dma_semaphore, #tpu.memory_space<semaphore_mem>>
      %dma_wait3A_583 = arith.constant 0 : i32
      %dma_wait3A_584 = tpu.memref_slice %arg4[%add3A_572, %dma_wait3A_583] : memref<819200x128xf32, #tpu.memory_space<hbm>> -> memref<128x128xf32, #tpu.memory_space<hbm>>
      %dma_wait3A_585 = arith.constant 0 : i32
      %dma_wait3A_586 = arith.constant 0 : i32
      %dma_wait3A_587 = tpu.memref_slice %arg6[%dma_wait3A_573, %dma_wait3A_585, %dma_wait3A_586] : memref<5x128x128xf32, #tpu.memory_space<vmem>> -> memref<1x128x128xf32, #tpu.memory_space<vmem>>
      %dma_wait3A_588 = tpu.memref_squeeze %dma_wait3A_587 : memref<1x128x128xf32, #tpu.memory_space<vmem>> -> memref<128x128xf32, #tpu.memory_space<vmem>>
      tpu.wait_dma2 semaphore(%dma_wait3A_582 : memref<!tpu.dma_semaphore, #tpu.memory_space<semaphore_mem>>) src(%dma_wait3A_588 : memref<128x128xf32, #tpu.memory_space<vmem>>) dst(%dma_wait3A_584 : memref<128x128xf32, #tpu.memory_space<hbm>>)
      %add3A_589 = arith.constant 5 : i32
      %add3A_590 = arith.addi %add3A_569, %add3A_589 : i32
      %mul3A_591 = arith.constant 128 : i32
      %mul3A_592 = arith.muli %add3A_590, %mul3A_591 : i32
      %dma_start3A_593 = arith.constant 2 : i32
      %dma_start3A_594 = arith.constant 2 : i32
      %dma_start3A_595 = arith.constant 0 : i32
      %dma_start3A_596 = arith.constant 0 : i32
      %dma_start3A_597 = tpu.memref_slice %arg6[%dma_start3A_593, %dma_start3A_595, %dma_start3A_596] : memref<5x128x128xf32, #tpu.memory_space<vmem>> -> memref<1x128x128xf32, #tpu.memory_space<vmem>>
      %dma_start3A_598 = tpu.memref_squeeze %dma_start3A_597 : memref<1x128x128xf32, #tpu.memory_space<vmem>> -> memref<128x128xf32, #tpu.memory_space<vmem>>
      %dma_start3A_599 = tpu.memref_slice %arg5[%mul3A_592] : memref<25600xi32, #tpu.memory_space<vmem>> -> memref<128xi32, #tpu.memory_space<vmem>>
      %dma_start3A_600 = arith.constant 0 : i32
      %dma_start3A_601 = arith.constant 0 : i32
      %dma_start3A_602 = tpu.memref_slice %arg2[%dma_start3A_600, %dma_start3A_601] : memref<100000x128xf32, #tpu.memory_space<hbm>> -> memref<100000x128xf32, #tpu.memory_space<hbm>>
      %dma_start3A_603 = tpu.memref_slice %arg7[%dma_start3A_594] : memref<5x!tpu.dma_semaphore, #tpu.memory_space<semaphore_mem>> -> memref<1x!tpu.dma_semaphore, #tpu.memory_space<semaphore_mem>>
      %dma_start3A_604 = tpu.memref_squeeze %dma_start3A_603 : memref<1x!tpu.dma_semaphore, #tpu.memory_space<semaphore_mem>> -> memref<!tpu.dma_semaphore, #tpu.memory_space<semaphore_mem>>
      tpu.enqueue_indirect_dma source(%dma_start3A_602 : memref<100000x128xf32, #tpu.memory_space<hbm>>) target(%dma_start3A_598 : memref<128x128xf32, #tpu.memory_space<vmem>>) offsets(%dma_start3A_599 : memref<128xi32, #tpu.memory_space<vmem>>) semaphore(%dma_start3A_604 : memref<!tpu.dma_semaphore, #tpu.memory_space<semaphore_mem>>)
      %add3A_605 = arith.constant 3 : i32
      %add3A_606 = arith.addi %mul3A_318, %add3A_605 : i32
      %mul3A_607 = arith.constant 128 : i32
      %mul3A_608 = arith.muli %add3A_606, %mul3A_607 : i32
      %add3A_609 = arith.addi %mul3A_2, %mul3A_608 : i32
      %dma_wait3A_610 = arith.constant 3 : i32
      %dma_wait3A_611 = arith.constant 3 : i32
      %dma_wait3A_612 = arith.constant 0 : i32
      %dma_wait3A_613 = arith.constant 0 : i32
      %dma_wait3A_614 = tpu.memref_slice %arg6[%dma_wait3A_610, %dma_wait3A_612, %dma_wait3A_613] : memref<5x128x128xf32, #tpu.memory_space<vmem>> -> memref<1x128x128xf32, #tpu.memory_space<vmem>>
      %dma_wait3A_615 = tpu.memref_squeeze %dma_wait3A_614 : memref<1x128x128xf32, #tpu.memory_space<vmem>> -> memref<128x128xf32, #tpu.memory_space<vmem>>
      %dma_wait3A_616 = arith.constant 0 : i32
      %dma_wait3A_617 = tpu.memref_slice %arg4[%add3A_609, %dma_wait3A_616] : memref<819200x128xf32, #tpu.memory_space<hbm>> -> memref<128x128xf32, #tpu.memory_space<hbm>>
      %dma_wait3A_618 = tpu.memref_slice %arg8[%dma_wait3A_611] : memref<5x!tpu.dma_semaphore, #tpu.memory_space<semaphore_mem>> -> memref<1x!tpu.dma_semaphore, #tpu.memory_space<semaphore_mem>>
      %dma_wait3A_619 = tpu.memref_squeeze %dma_wait3A_618 : memref<1x!tpu.dma_semaphore, #tpu.memory_space<semaphore_mem>> -> memref<!tpu.dma_semaphore, #tpu.memory_space<semaphore_mem>>
      %dma_wait3A_620 = arith.constant 0 : i32
      %dma_wait3A_621 = tpu.memref_slice %arg4[%add3A_609, %dma_wait3A_620] : memref<819200x128xf32, #tpu.memory_space<hbm>> -> memref<128x128xf32, #tpu.memory_space<hbm>>
      %dma_wait3A_622 = arith.constant 0 : i32
      %dma_wait3A_623 = arith.constant 0 : i32
      %dma_wait3A_624 = tpu.memref_slice %arg6[%dma_wait3A_610, %dma_wait3A_622, %dma_wait3A_623] : memref<5x128x128xf32, #tpu.memory_space<vmem>> -> memref<1x128x128xf32, #tpu.memory_space<vmem>>
      %dma_wait3A_625 = tpu.memref_squeeze %dma_wait3A_624 : memref<1x128x128xf32, #tpu.memory_space<vmem>> -> memref<128x128xf32, #tpu.memory_space<vmem>>
      tpu.wait_dma2 semaphore(%dma_wait3A_619 : memref<!tpu.dma_semaphore, #tpu.memory_space<semaphore_mem>>) src(%dma_wait3A_625 : memref<128x128xf32, #tpu.memory_space<vmem>>) dst(%dma_wait3A_621 : memref<128x128xf32, #tpu.memory_space<hbm>>)
      %add3A_626 = arith.constant 5 : i32
      %add3A_627 = arith.addi %add3A_606, %add3A_626 : i32
      %mul3A_628 = arith.constant 128 : i32
      %mul3A_629 = arith.muli %add3A_627, %mul3A_628 : i32
      %dma_start3A_630 = arith.constant 3 : i32
      %dma_start3A_631 = arith.constant 3 : i32
      %dma_start3A_632 = arith.constant 0 : i32
      %dma_start3A_633 = arith.constant 0 : i32
      %dma_start3A_634 = tpu.memref_slice %arg6[%dma_start3A_630, %dma_start3A_632, %dma_start3A_633] : memref<5x128x128xf32, #tpu.memory_space<vmem>> -> memref<1x128x128xf32, #tpu.memory_space<vmem>>
      %dma_start3A_635 = tpu.memref_squeeze %dma_start3A_634 : memref<1x128x128xf32, #tpu.memory_space<vmem>> -> memref<128x128xf32, #tpu.memory_space<vmem>>
      %dma_start3A_636 = tpu.memref_slice %arg5[%mul3A_629] : memref<25600xi32, #tpu.memory_space<vmem>> -> memref<128xi32, #tpu.memory_space<vmem>>
      %dma_start3A_637 = arith.constant 0 : i32
      %dma_start3A_638 = arith.constant 0 : i32
      %dma_start3A_639 = tpu.memref_slice %arg2[%dma_start3A_637, %dma_start3A_638] : memref<100000x128xf32, #tpu.memory_space<hbm>> -> memref<100000x128xf32, #tpu.memory_space<hbm>>
      %dma_start3A_640 = tpu.memref_slice %arg7[%dma_start3A_631] : memref<5x!tpu.dma_semaphore, #tpu.memory_space<semaphore_mem>> -> memref<1x!tpu.dma_semaphore, #tpu.memory_space<semaphore_mem>>
      %dma_start3A_641 = tpu.memref_squeeze %dma_start3A_640 : memref<1x!tpu.dma_semaphore, #tpu.memory_space<semaphore_mem>> -> memref<!tpu.dma_semaphore, #tpu.memory_space<semaphore_mem>>
      tpu.enqueue_indirect_dma source(%dma_start3A_639 : memref<100000x128xf32, #tpu.memory_space<hbm>>) target(%dma_start3A_635 : memref<128x128xf32, #tpu.memory_space<vmem>>) offsets(%dma_start3A_636 : memref<128xi32, #tpu.memory_space<vmem>>) semaphore(%dma_start3A_641 : memref<!tpu.dma_semaphore, #tpu.memory_space<semaphore_mem>>)
      %add3A_642 = arith.constant 4 : i32
      %add3A_643 = arith.addi %mul3A_318, %add3A_642 : i32
      %mul3A_644 = arith.constant 128 : i32
      %mul3A_645 = arith.muli %add3A_643, %mul3A_644 : i32
      %add3A_646 = arith.addi %mul3A_2, %mul3A_645 : i32
      %dma_wait3A_647 = arith.constant 4 : i32
      %dma_wait3A_648 = arith.constant 4 : i32
      %dma_wait3A_649 = arith.constant 0 : i32
      %dma_wait3A_650 = arith.constant 0 : i32
      %dma_wait3A_651 = tpu.memref_slice %arg6[%dma_wait3A_647, %dma_wait3A_649, %dma_wait3A_650] : memref<5x128x128xf32, #tpu.memory_space<vmem>> -> memref<1x128x128xf32, #tpu.memory_space<vmem>>
      %dma_wait3A_652 = tpu.memref_squeeze %dma_wait3A_651 : memref<1x128x128xf32, #tpu.memory_space<vmem>> -> memref<128x128xf32, #tpu.memory_space<vmem>>
      %dma_wait3A_653 = arith.constant 0 : i32
      %dma_wait3A_654 = tpu.memref_slice %arg4[%add3A_646, %dma_wait3A_653] : memref<819200x128xf32, #tpu.memory_space<hbm>> -> memref<128x128xf32, #tpu.memory_space<hbm>>
      %dma_wait3A_655 = tpu.memref_slice %arg8[%dma_wait3A_648] : memref<5x!tpu.dma_semaphore, #tpu.memory_space<semaphore_mem>> -> memref<1x!tpu.dma_semaphore, #tpu.memory_space<semaphore_mem>>
      %dma_wait3A_656 = tpu.memref_squeeze %dma_wait3A_655 : memref<1x!tpu.dma_semaphore, #tpu.memory_space<semaphore_mem>> -> memref<!tpu.dma_semaphore, #tpu.memory_space<semaphore_mem>>
      %dma_wait3A_657 = arith.constant 0 : i32
      %dma_wait3A_658 = tpu.memref_slice %arg4[%add3A_646, %dma_wait3A_657] : memref<819200x128xf32, #tpu.memory_space<hbm>> -> memref<128x128xf32, #tpu.memory_space<hbm>>
      %dma_wait3A_659 = arith.constant 0 : i32
      %dma_wait3A_660 = arith.constant 0 : i32
      %dma_wait3A_661 = tpu.memref_slice %arg6[%dma_wait3A_647, %dma_wait3A_659, %dma_wait3A_660] : memref<5x128x128xf32, #tpu.memory_space<vmem>> -> memref<1x128x128xf32, #tpu.memory_space<vmem>>
      %dma_wait3A_662 = tpu.memref_squeeze %dma_wait3A_661 : memref<1x128x128xf32, #tpu.memory_space<vmem>> -> memref<128x128xf32, #tpu.memory_space<vmem>>
      tpu.wait_dma2 semaphore(%dma_wait3A_656 : memref<!tpu.dma_semaphore, #tpu.memory_space<semaphore_mem>>) src(%dma_wait3A_662 : memref<128x128xf32, #tpu.memory_space<vmem>>) dst(%dma_wait3A_658 : memref<128x128xf32, #tpu.memory_space<hbm>>)
      %add3A_663 = arith.constant 5 : i32
      %add3A_664 = arith.addi %add3A_643, %add3A_663 : i32
      %mul3A_665 = arith.constant 128 : i32
      %mul3A_666 = arith.muli %add3A_664, %mul3A_665 : i32
      %dma_start3A_667 = arith.constant 4 : i32
      %dma_start3A_668 = arith.constant 4 : i32
      %dma_start3A_669 = arith.constant 0 : i32
      %dma_start3A_670 = arith.constant 0 : i32
      %dma_start3A_671 = tpu.memref_slice %arg6[%dma_start3A_667, %dma_start3A_669, %dma_start3A_670] : memref<5x128x128xf32, #tpu.memory_space<vmem>> -> memref<1x128x128xf32, #tpu.memory_space<vmem>>
      %dma_start3A_672 = tpu.memref_squeeze %dma_start3A_671 : memref<1x128x128xf32, #tpu.memory_space<vmem>> -> memref<128x128xf32, #tpu.memory_space<vmem>>
      %dma_start3A_673 = tpu.memref_slice %arg5[%mul3A_666] : memref<25600xi32, #tpu.memory_space<vmem>> -> memref<128xi32, #tpu.memory_space<vmem>>
      %dma_start3A_674 = arith.constant 0 : i32
      %dma_start3A_675 = arith.constant 0 : i32
      %dma_start3A_676 = tpu.memref_slice %arg2[%dma_start3A_674, %dma_start3A_675] : memref<100000x128xf32, #tpu.memory_space<hbm>> -> memref<100000x128xf32, #tpu.memory_space<hbm>>
      %dma_start3A_677 = tpu.memref_slice %arg7[%dma_start3A_668] : memref<5x!tpu.dma_semaphore, #tpu.memory_space<semaphore_mem>> -> memref<1x!tpu.dma_semaphore, #tpu.memory_space<semaphore_mem>>
      %dma_start3A_678 = tpu.memref_squeeze %dma_start3A_677 : memref<1x!tpu.dma_semaphore, #tpu.memory_space<semaphore_mem>> -> memref<!tpu.dma_semaphore, #tpu.memory_space<semaphore_mem>>
      tpu.enqueue_indirect_dma source(%dma_start3A_676 : memref<100000x128xf32, #tpu.memory_space<hbm>>) target(%dma_start3A_672 : memref<128x128xf32, #tpu.memory_space<vmem>>) offsets(%dma_start3A_673 : memref<128xi32, #tpu.memory_space<vmem>>) semaphore(%dma_start3A_678 : memref<!tpu.dma_semaphore, #tpu.memory_space<semaphore_mem>>)
    }
    %scan3A_71 = arith.constant 39 : i32
    %dma_wait3A = arith.constant 0 : i32
    %dma_wait3A_72 = arith.constant 0 : i32
    %dma_wait3A_73 = arith.constant 0 : i32
    %dma_wait3A_74 = arith.constant 0 : i32
    %dma_wait3A_75 = tpu.memref_slice %arg6[%dma_wait3A, %dma_wait3A_73, %dma_wait3A_74] : memref<5x128x128xf32, #tpu.memory_space<vmem>> -> memref<1x128x128xf32, #tpu.memory_space<vmem>>
    %dma_wait3A_76 = tpu.memref_squeeze %dma_wait3A_75 : memref<1x128x128xf32, #tpu.memory_space<vmem>> -> memref<128x128xf32, #tpu.memory_space<vmem>>
    %dma_wait3A_77 = arith.constant 24960 : i32
    %dma_wait3A_78 = tpu.memref_slice %arg5[%dma_wait3A_77] : memref<25600xi32, #tpu.memory_space<vmem>> -> memref<128xi32, #tpu.memory_space<vmem>>
    %dma_wait3A_79 = arith.constant 0 : i32
    %dma_wait3A_80 = arith.constant 0 : i32
    %dma_wait3A_81 = tpu.memref_slice %arg2[%dma_wait3A_79, %dma_wait3A_80] : memref<100000x128xf32, #tpu.memory_space<hbm>> -> memref<100000x128xf32, #tpu.memory_space<hbm>>
    %dma_wait3A_82 = tpu.memref_slice %arg7[%dma_wait3A_72] : memref<5x!tpu.dma_semaphore, #tpu.memory_space<semaphore_mem>> -> memref<1x!tpu.dma_semaphore, #tpu.memory_space<semaphore_mem>>
    %dma_wait3A_83 = tpu.memref_squeeze %dma_wait3A_82 : memref<1x!tpu.dma_semaphore, #tpu.memory_space<semaphore_mem>> -> memref<!tpu.dma_semaphore, #tpu.memory_space<semaphore_mem>>
    tpu.wait_indirect_dma semaphore(%dma_wait3A_83 : memref<!tpu.dma_semaphore, #tpu.memory_space<semaphore_mem>>) src(%dma_wait3A_81 : memref<100000x128xf32, #tpu.memory_space<hbm>>) dst(%dma_wait3A_76 : memref<128x128xf32, #tpu.memory_space<vmem>>)
    %add3A_84 = arith.constant 24960 : i32
    %add3A_85 = arith.addi %mul3A_2, %add3A_84 : i32
    %dma_start3A_86 = arith.constant 0 : i32
    %dma_start3A_87 = arith.constant 0 : i32
    %dma_start3A_88 = arith.constant 0 : i32
    %dma_start3A_89 = arith.constant 0 : i32
    %dma_start3A_90 = tpu.memref_slice %arg6[%dma_start3A_86, %dma_start3A_88, %dma_start3A_89] : memref<5x128x128xf32, #tpu.memory_space<vmem>> -> memref<1x128x128xf32, #tpu.memory_space<vmem>>
    %dma_start3A_91 = tpu.memref_squeeze %dma_start3A_90 : memref<1x128x128xf32, #tpu.memory_space<vmem>> -> memref<128x128xf32, #tpu.memory_space<vmem>>
    %dma_start3A_92 = arith.constant 0 : i32
    %dma_start3A_93 = tpu.memref_slice %arg4[%add3A_85, %dma_start3A_92] : memref<819200x128xf32, #tpu.memory_space<hbm>> -> memref<128x128xf32, #tpu.memory_space<hbm>>
    %dma_start3A_94 = tpu.memref_slice %arg8[%dma_start3A_87] : memref<5x!tpu.dma_semaphore, #tpu.memory_space<semaphore_mem>> -> memref<1x!tpu.dma_semaphore, #tpu.memory_space<semaphore_mem>>
    %dma_start3A_95 = tpu.memref_squeeze %dma_start3A_94 : memref<1x!tpu.dma_semaphore, #tpu.memory_space<semaphore_mem>> -> memref<!tpu.dma_semaphore, #tpu.memory_space<semaphore_mem>>
    %dma_start3A_96 = arith.constant 0 : i32
    %dma_start3A_97 = tpu.memref_slice %arg4[%add3A_85, %dma_start3A_96] : memref<819200x128xf32, #tpu.memory_space<hbm>> -> memref<128x128xf32, #tpu.memory_space<hbm>>
    %dma_start3A_98 = arith.constant 0 : i32
    %dma_start3A_99 = arith.constant 0 : i32
    %dma_start3A_100 = tpu.memref_slice %arg6[%dma_start3A_86, %dma_start3A_98, %dma_start3A_99] : memref<5x128x128xf32, #tpu.memory_space<vmem>> -> memref<1x128x128xf32, #tpu.memory_space<vmem>>
    %dma_start3A_101 = tpu.memref_squeeze %dma_start3A_100 : memref<1x128x128xf32, #tpu.memory_space<vmem>> -> memref<128x128xf32, #tpu.memory_space<vmem>>
    tpu.enqueue_dma source(%dma_start3A_101 : memref<128x128xf32, #tpu.memory_space<vmem>>) target(%dma_start3A_97 : memref<128x128xf32, #tpu.memory_space<hbm>>) target_semaphore(%dma_start3A_95 : memref<!tpu.dma_semaphore, #tpu.memory_space<semaphore_mem>>)
    %dma_wait3A_102 = arith.constant 1 : i32
    %dma_wait3A_103 = arith.constant 1 : i32
    %dma_wait3A_104 = arith.constant 0 : i32
    %dma_wait3A_105 = arith.constant 0 : i32
    %dma_wait3A_106 = tpu.memref_slice %arg6[%dma_wait3A_102, %dma_wait3A_104, %dma_wait3A_105] : memref<5x128x128xf32, #tpu.memory_space<vmem>> -> memref<1x128x128xf32, #tpu.memory_space<vmem>>
    %dma_wait3A_107 = tpu.memref_squeeze %dma_wait3A_106 : memref<1x128x128xf32, #tpu.memory_space<vmem>> -> memref<128x128xf32, #tpu.memory_space<vmem>>
    %dma_wait3A_108 = arith.constant 25088 : i32
    %dma_wait3A_109 = tpu.memref_slice %arg5[%dma_wait3A_108] : memref<25600xi32, #tpu.memory_space<vmem>> -> memref<128xi32, #tpu.memory_space<vmem>>
    %dma_wait3A_110 = arith.constant 0 : i32
    %dma_wait3A_111 = arith.constant 0 : i32
    %dma_wait3A_112 = tpu.memref_slice %arg2[%dma_wait3A_110, %dma_wait3A_111] : memref<100000x128xf32, #tpu.memory_space<hbm>> -> memref<100000x128xf32, #tpu.memory_space<hbm>>
    %dma_wait3A_113 = tpu.memref_slice %arg7[%dma_wait3A_103] : memref<5x!tpu.dma_semaphore, #tpu.memory_space<semaphore_mem>> -> memref<1x!tpu.dma_semaphore, #tpu.memory_space<semaphore_mem>>
    %dma_wait3A_114 = tpu.memref_squeeze %dma_wait3A_113 : memref<1x!tpu.dma_semaphore, #tpu.memory_space<semaphore_mem>> -> memref<!tpu.dma_semaphore, #tpu.memory_space<semaphore_mem>>
    tpu.wait_indirect_dma semaphore(%dma_wait3A_114 : memref<!tpu.dma_semaphore, #tpu.memory_space<semaphore_mem>>) src(%dma_wait3A_112 : memref<100000x128xf32, #tpu.memory_space<hbm>>) dst(%dma_wait3A_107 : memref<128x128xf32, #tpu.memory_space<vmem>>)
    %add3A_115 = arith.constant 25088 : i32
    %add3A_116 = arith.addi %mul3A_2, %add3A_115 : i32
    %dma_start3A_117 = arith.constant 1 : i32
    %dma_start3A_118 = arith.constant 1 : i32
    %dma_start3A_119 = arith.constant 0 : i32
    %dma_start3A_120 = arith.constant 0 : i32
    %dma_start3A_121 = tpu.memref_slice %arg6[%dma_start3A_117, %dma_start3A_119, %dma_start3A_120] : memref<5x128x128xf32, #tpu.memory_space<vmem>> -> memref<1x128x128xf32, #tpu.memory_space<vmem>>
    %dma_start3A_122 = tpu.memref_squeeze %dma_start3A_121 : memref<1x128x128xf32, #tpu.memory_space<vmem>> -> memref<128x128xf32, #tpu.memory_space<vmem>>
    %dma_start3A_123 = arith.constant 0 : i32
    %dma_start3A_124 = tpu.memref_slice %arg4[%add3A_116, %dma_start3A_123] : memref<819200x128xf32, #tpu.memory_space<hbm>> -> memref<128x128xf32, #tpu.memory_space<hbm>>
    %dma_start3A_125 = tpu.memref_slice %arg8[%dma_start3A_118] : memref<5x!tpu.dma_semaphore, #tpu.memory_space<semaphore_mem>> -> memref<1x!tpu.dma_semaphore, #tpu.memory_space<semaphore_mem>>
    %dma_start3A_126 = tpu.memref_squeeze %dma_start3A_125 : memref<1x!tpu.dma_semaphore, #tpu.memory_space<semaphore_mem>> -> memref<!tpu.dma_semaphore, #tpu.memory_space<semaphore_mem>>
    %dma_start3A_127 = arith.constant 0 : i32
    %dma_start3A_128 = tpu.memref_slice %arg4[%add3A_116, %dma_start3A_127] : memref<819200x128xf32, #tpu.memory_space<hbm>> -> memref<128x128xf32, #tpu.memory_space<hbm>>
    %dma_start3A_129 = arith.constant 0 : i32
    %dma_start3A_130 = arith.constant 0 : i32
    %dma_start3A_131 = tpu.memref_slice %arg6[%dma_start3A_117, %dma_start3A_129, %dma_start3A_130] : memref<5x128x128xf32, #tpu.memory_space<vmem>> -> memref<1x128x128xf32, #tpu.memory_space<vmem>>
    %dma_start3A_132 = tpu.memref_squeeze %dma_start3A_131 : memref<1x128x128xf32, #tpu.memory_space<vmem>> -> memref<128x128xf32, #tpu.memory_space<vmem>>
    tpu.enqueue_dma source(%dma_start3A_132 : memref<128x128xf32, #tpu.memory_space<vmem>>) target(%dma_start3A_128 : memref<128x128xf32, #tpu.memory_space<hbm>>) target_semaphore(%dma_start3A_126 : memref<!tpu.dma_semaphore, #tpu.memory_space<semaphore_mem>>)
    %dma_wait3A_133 = arith.constant 2 : i32
    %dma_wait3A_134 = arith.constant 2 : i32
    %dma_wait3A_135 = arith.constant 0 : i32
    %dma_wait3A_136 = arith.constant 0 : i32
    %dma_wait3A_137 = tpu.memref_slice %arg6[%dma_wait3A_133, %dma_wait3A_135, %dma_wait3A_136] : memref<5x128x128xf32, #tpu.memory_space<vmem>> -> memref<1x128x128xf32, #tpu.memory_space<vmem>>
    %dma_wait3A_138 = tpu.memref_squeeze %dma_wait3A_137 : memref<1x128x128xf32, #tpu.memory_space<vmem>> -> memref<128x128xf32, #tpu.memory_space<vmem>>
    %dma_wait3A_139 = arith.constant 25216 : i32
    %dma_wait3A_140 = tpu.memref_slice %arg5[%dma_wait3A_139] : memref<25600xi32, #tpu.memory_space<vmem>> -> memref<128xi32, #tpu.memory_space<vmem>>
    %dma_wait3A_141 = arith.constant 0 : i32
    %dma_wait3A_142 = arith.constant 0 : i32
    %dma_wait3A_143 = tpu.memref_slice %arg2[%dma_wait3A_141, %dma_wait3A_142] : memref<100000x128xf32, #tpu.memory_space<hbm>> -> memref<100000x128xf32, #tpu.memory_space<hbm>>
    %dma_wait3A_144 = tpu.memref_slice %arg7[%dma_wait3A_134] : memref<5x!tpu.dma_semaphore, #tpu.memory_space<semaphore_mem>> -> memref<1x!tpu.dma_semaphore, #tpu.memory_space<semaphore_mem>>
    %dma_wait3A_145 = tpu.memref_squeeze %dma_wait3A_144 : memref<1x!tpu.dma_semaphore, #tpu.memory_space<semaphore_mem>> -> memref<!tpu.dma_semaphore, #tpu.memory_space<semaphore_mem>>
    tpu.wait_indirect_dma semaphore(%dma_wait3A_145 : memref<!tpu.dma_semaphore, #tpu.memory_space<semaphore_mem>>) src(%dma_wait3A_143 : memref<100000x128xf32, #tpu.memory_space<hbm>>) dst(%dma_wait3A_138 : memref<128x128xf32, #tpu.memory_space<vmem>>)
    %add3A_146 = arith.constant 25216 : i32
    %add3A_147 = arith.addi %mul3A_2, %add3A_146 : i32
    %dma_start3A_148 = arith.constant 2 : i32
    %dma_start3A_149 = arith.constant 2 : i32
    %dma_start3A_150 = arith.constant 0 : i32
    %dma_start3A_151 = arith.constant 0 : i32
    %dma_start3A_152 = tpu.memref_slice %arg6[%dma_start3A_148, %dma_start3A_150, %dma_start3A_151] : memref<5x128x128xf32, #tpu.memory_space<vmem>> -> memref<1x128x128xf32, #tpu.memory_space<vmem>>
    %dma_start3A_153 = tpu.memref_squeeze %dma_start3A_152 : memref<1x128x128xf32, #tpu.memory_space<vmem>> -> memref<128x128xf32, #tpu.memory_space<vmem>>
    %dma_start3A_154 = arith.constant 0 : i32
    %dma_start3A_155 = tpu.memref_slice %arg4[%add3A_147, %dma_start3A_154] : memref<819200x128xf32, #tpu.memory_space<hbm>> -> memref<128x128xf32, #tpu.memory_space<hbm>>
    %dma_start3A_156 = tpu.memref_slice %arg8[%dma_start3A_149] : memref<5x!tpu.dma_semaphore, #tpu.memory_space<semaphore_mem>> -> memref<1x!tpu.dma_semaphore, #tpu.memory_space<semaphore_mem>>
    %dma_start3A_157 = tpu.memref_squeeze %dma_start3A_156 : memref<1x!tpu.dma_semaphore, #tpu.memory_space<semaphore_mem>> -> memref<!tpu.dma_semaphore, #tpu.memory_space<semaphore_mem>>
    %dma_start3A_158 = arith.constant 0 : i32
    %dma_start3A_159 = tpu.memref_slice %arg4[%add3A_147, %dma_start3A_158] : memref<819200x128xf32, #tpu.memory_space<hbm>> -> memref<128x128xf32, #tpu.memory_space<hbm>>
    %dma_start3A_160 = arith.constant 0 : i32
    %dma_start3A_161 = arith.constant 0 : i32
    %dma_start3A_162 = tpu.memref_slice %arg6[%dma_start3A_148, %dma_start3A_160, %dma_start3A_161] : memref<5x128x128xf32, #tpu.memory_space<vmem>> -> memref<1x128x128xf32, #tpu.memory_space<vmem>>
    %dma_start3A_163 = tpu.memref_squeeze %dma_start3A_162 : memref<1x128x128xf32, #tpu.memory_space<vmem>> -> memref<128x128xf32, #tpu.memory_space<vmem>>
    tpu.enqueue_dma source(%dma_start3A_163 : memref<128x128xf32, #tpu.memory_space<vmem>>) target(%dma_start3A_159 : memref<128x128xf32, #tpu.memory_space<hbm>>) target_semaphore(%dma_start3A_157 : memref<!tpu.dma_semaphore, #tpu.memory_space<semaphore_mem>>)
    %dma_wait3A_164 = arith.constant 3 : i32
    %dma_wait3A_165 = arith.constant 3 : i32
    %dma_wait3A_166 = arith.constant 0 : i32
    %dma_wait3A_167 = arith.constant 0 : i32
    %dma_wait3A_168 = tpu.memref_slice %arg6[%dma_wait3A_164, %dma_wait3A_166, %dma_wait3A_167] : memref<5x128x128xf32, #tpu.memory_space<vmem>> -> memref<1x128x128xf32, #tpu.memory_space<vmem>>
    %dma_wait3A_169 = tpu.memref_squeeze %dma_wait3A_168 : memref<1x128x128xf32, #tpu.memory_space<vmem>> -> memref<128x128xf32, #tpu.memory_space<vmem>>
    %dma_wait3A_170 = arith.constant 25344 : i32
    %dma_wait3A_171 = tpu.memref_slice %arg5[%dma_wait3A_170] : memref<25600xi32, #tpu.memory_space<vmem>> -> memref<128xi32, #tpu.memory_space<vmem>>
    %dma_wait3A_172 = arith.constant 0 : i32
    %dma_wait3A_173 = arith.constant 0 : i32
    %dma_wait3A_174 = tpu.memref_slice %arg2[%dma_wait3A_172, %dma_wait3A_173] : memref<100000x128xf32, #tpu.memory_space<hbm>> -> memref<100000x128xf32, #tpu.memory_space<hbm>>
    %dma_wait3A_175 = tpu.memref_slice %arg7[%dma_wait3A_165] : memref<5x!tpu.dma_semaphore, #tpu.memory_space<semaphore_mem>> -> memref<1x!tpu.dma_semaphore, #tpu.memory_space<semaphore_mem>>
    %dma_wait3A_176 = tpu.memref_squeeze %dma_wait3A_175 : memref<1x!tpu.dma_semaphore, #tpu.memory_space<semaphore_mem>> -> memref<!tpu.dma_semaphore, #tpu.memory_space<semaphore_mem>>
    tpu.wait_indirect_dma semaphore(%dma_wait3A_176 : memref<!tpu.dma_semaphore, #tpu.memory_space<semaphore_mem>>) src(%dma_wait3A_174 : memref<100000x128xf32, #tpu.memory_space<hbm>>) dst(%dma_wait3A_169 : memref<128x128xf32, #tpu.memory_space<vmem>>)
    %add3A_177 = arith.constant 25344 : i32
    %add3A_178 = arith.addi %mul3A_2, %add3A_177 : i32
    %dma_start3A_179 = arith.constant 3 : i32
    %dma_start3A_180 = arith.constant 3 : i32
    %dma_start3A_181 = arith.constant 0 : i32
    %dma_start3A_182 = arith.constant 0 : i32
    %dma_start3A_183 = tpu.memref_slice %arg6[%dma_start3A_179, %dma_start3A_181, %dma_start3A_182] : memref<5x128x128xf32, #tpu.memory_space<vmem>> -> memref<1x128x128xf32, #tpu.memory_space<vmem>>
    %dma_start3A_184 = tpu.memref_squeeze %dma_start3A_183 : memref<1x128x128xf32, #tpu.memory_space<vmem>> -> memref<128x128xf32, #tpu.memory_space<vmem>>
    %dma_start3A_185 = arith.constant 0 : i32
    %dma_start3A_186 = tpu.memref_slice %arg4[%add3A_178, %dma_start3A_185] : memref<819200x128xf32, #tpu.memory_space<hbm>> -> memref<128x128xf32, #tpu.memory_space<hbm>>
    %dma_start3A_187 = tpu.memref_slice %arg8[%dma_start3A_180] : memref<5x!tpu.dma_semaphore, #tpu.memory_space<semaphore_mem>> -> memref<1x!tpu.dma_semaphore, #tpu.memory_space<semaphore_mem>>
    %dma_start3A_188 = tpu.memref_squeeze %dma_start3A_187 : memref<1x!tpu.dma_semaphore, #tpu.memory_space<semaphore_mem>> -> memref<!tpu.dma_semaphore, #tpu.memory_space<semaphore_mem>>
    %dma_start3A_189 = arith.constant 0 : i32
    %dma_start3A_190 = tpu.memref_slice %arg4[%add3A_178, %dma_start3A_189] : memref<819200x128xf32, #tpu.memory_space<hbm>> -> memref<128x128xf32, #tpu.memory_space<hbm>>
    %dma_start3A_191 = arith.constant 0 : i32
    %dma_start3A_192 = arith.constant 0 : i32
    %dma_start3A_193 = tpu.memref_slice %arg6[%dma_start3A_179, %dma_start3A_191, %dma_start3A_192] : memref<5x128x128xf32, #tpu.memory_space<vmem>> -> memref<1x128x128xf32, #tpu.memory_space<vmem>>
    %dma_start3A_194 = tpu.memref_squeeze %dma_start3A_193 : memref<1x128x128xf32, #tpu.memory_space<vmem>> -> memref<128x128xf32, #tpu.memory_space<vmem>>
    tpu.enqueue_dma source(%dma_start3A_194 : memref<128x128xf32, #tpu.memory_space<vmem>>) target(%dma_start3A_190 : memref<128x128xf32, #tpu.memory_space<hbm>>) target_semaphore(%dma_start3A_188 : memref<!tpu.dma_semaphore, #tpu.memory_space<semaphore_mem>>)
    %dma_wait3A_195 = arith.constant 4 : i32
    %dma_wait3A_196 = arith.constant 4 : i32
    %dma_wait3A_197 = arith.constant 0 : i32
    %dma_wait3A_198 = arith.constant 0 : i32
    %dma_wait3A_199 = tpu.memref_slice %arg6[%dma_wait3A_195, %dma_wait3A_197, %dma_wait3A_198] : memref<5x128x128xf32, #tpu.memory_space<vmem>> -> memref<1x128x128xf32, #tpu.memory_space<vmem>>
    %dma_wait3A_200 = tpu.memref_squeeze %dma_wait3A_199 : memref<1x128x128xf32, #tpu.memory_space<vmem>> -> memref<128x128xf32, #tpu.memory_space<vmem>>
    %dma_wait3A_201 = arith.constant 25472 : i32
    %dma_wait3A_202 = tpu.memref_slice %arg5[%dma_wait3A_201] : memref<25600xi32, #tpu.memory_space<vmem>> -> memref<128xi32, #tpu.memory_space<vmem>>
    %dma_wait3A_203 = arith.constant 0 : i32
    %dma_wait3A_204 = arith.constant 0 : i32
    %dma_wait3A_205 = tpu.memref_slice %arg2[%dma_wait3A_203, %dma_wait3A_204] : memref<100000x128xf32, #tpu.memory_space<hbm>> -> memref<100000x128xf32, #tpu.memory_space<hbm>>
    %dma_wait3A_206 = tpu.memref_slice %arg7[%dma_wait3A_196] : memref<5x!tpu.dma_semaphore, #tpu.memory_space<semaphore_mem>> -> memref<1x!tpu.dma_semaphore, #tpu.memory_space<semaphore_mem>>
    %dma_wait3A_207 = tpu.memref_squeeze %dma_wait3A_206 : memref<1x!tpu.dma_semaphore, #tpu.memory_space<semaphore_mem>> -> memref<!tpu.dma_semaphore, #tpu.memory_space<semaphore_mem>>
    tpu.wait_indirect_dma semaphore(%dma_wait3A_207 : memref<!tpu.dma_semaphore, #tpu.memory_space<semaphore_mem>>) src(%dma_wait3A_205 : memref<100000x128xf32, #tpu.memory_space<hbm>>) dst(%dma_wait3A_200 : memref<128x128xf32, #tpu.memory_space<vmem>>)
    %add3A_208 = arith.constant 25472 : i32
    %add3A_209 = arith.addi %mul3A_2, %add3A_208 : i32
    %dma_start3A_210 = arith.constant 4 : i32
    %dma_start3A_211 = arith.constant 4 : i32
    %dma_start3A_212 = arith.constant 0 : i32
    %dma_start3A_213 = arith.constant 0 : i32
    %dma_start3A_214 = tpu.memref_slice %arg6[%dma_start3A_210, %dma_start3A_212, %dma_start3A_213] : memref<5x128x128xf32, #tpu.memory_space<vmem>> -> memref<1x128x128xf32, #tpu.memory_space<vmem>>
    %dma_start3A_215 = tpu.memref_squeeze %dma_start3A_214 : memref<1x128x128xf32, #tpu.memory_space<vmem>> -> memref<128x128xf32, #tpu.memory_space<vmem>>
    %dma_start3A_216 = arith.constant 0 : i32
    %dma_start3A_217 = tpu.memref_slice %arg4[%add3A_209, %dma_start3A_216] : memref<819200x128xf32, #tpu.memory_space<hbm>> -> memref<128x128xf32, #tpu.memory_space<hbm>>
    %dma_start3A_218 = tpu.memref_slice %arg8[%dma_start3A_211] : memref<5x!tpu.dma_semaphore, #tpu.memory_space<semaphore_mem>> -> memref<1x!tpu.dma_semaphore, #tpu.memory_space<semaphore_mem>>
    %dma_start3A_219 = tpu.memref_squeeze %dma_start3A_218 : memref<1x!tpu.dma_semaphore, #tpu.memory_space<semaphore_mem>> -> memref<!tpu.dma_semaphore, #tpu.memory_space<semaphore_mem>>
    %dma_start3A_220 = arith.constant 0 : i32
    %dma_start3A_221 = tpu.memref_slice %arg4[%add3A_209, %dma_start3A_220] : memref<819200x128xf32, #tpu.memory_space<hbm>> -> memref<128x128xf32, #tpu.memory_space<hbm>>
    %dma_start3A_222 = arith.constant 0 : i32
    %dma_start3A_223 = arith.constant 0 : i32
    %dma_start3A_224 = tpu.memref_slice %arg6[%dma_start3A_210, %dma_start3A_222, %dma_start3A_223] : memref<5x128x128xf32, #tpu.memory_space<vmem>> -> memref<1x128x128xf32, #tpu.memory_space<vmem>>
    %dma_start3A_225 = tpu.memref_squeeze %dma_start3A_224 : memref<1x128x128xf32, #tpu.memory_space<vmem>> -> memref<128x128xf32, #tpu.memory_space<vmem>>
    tpu.enqueue_dma source(%dma_start3A_225 : memref<128x128xf32, #tpu.memory_space<vmem>>) target(%dma_start3A_221 : memref<128x128xf32, #tpu.memory_space<hbm>>) target_semaphore(%dma_start3A_219 : memref<!tpu.dma_semaphore, #tpu.memory_space<semaphore_mem>>)
    %add3A_226 = arith.constant 24960 : i32
    %add3A_227 = arith.addi %mul3A_2, %add3A_226 : i32
    %dma_wait3A_228 = arith.constant 0 : i32
    %dma_wait3A_229 = arith.constant 0 : i32
    %dma_wait3A_230 = arith.constant 0 : i32
    %dma_wait3A_231 = arith.constant 0 : i32
    %dma_wait3A_232 = tpu.memref_slice %arg6[%dma_wait3A_228, %dma_wait3A_230, %dma_wait3A_231] : memref<5x128x128xf32, #tpu.memory_space<vmem>> -> memref<1x128x128xf32, #tpu.memory_space<vmem>>
    %dma_wait3A_233 = tpu.memref_squeeze %dma_wait3A_232 : memref<1x128x128xf32, #tpu.memory_space<vmem>> -> memref<128x128xf32, #tpu.memory_space<vmem>>
    %dma_wait3A_234 = arith.constant 0 : i32
    %dma_wait3A_235 = tpu.memref_slice %arg4[%add3A_227, %dma_wait3A_234] : memref<819200x128xf32, #tpu.memory_space<hbm>> -> memref<128x128xf32, #tpu.memory_space<hbm>>
    %dma_wait3A_236 = tpu.memref_slice %arg8[%dma_wait3A_229] : memref<5x!tpu.dma_semaphore, #tpu.memory_space<semaphore_mem>> -> memref<1x!tpu.dma_semaphore, #tpu.memory_space<semaphore_mem>>
    %dma_wait3A_237 = tpu.memref_squeeze %dma_wait3A_236 : memref<1x!tpu.dma_semaphore, #tpu.memory_space<semaphore_mem>> -> memref<!tpu.dma_semaphore, #tpu.memory_space<semaphore_mem>>
    %dma_wait3A_238 = arith.constant 0 : i32
    %dma_wait3A_239 = tpu.memref_slice %arg4[%add3A_227, %dma_wait3A_238] : memref<819200x128xf32, #tpu.memory_space<hbm>> -> memref<128x128xf32, #tpu.memory_space<hbm>>
    %dma_wait3A_240 = arith.constant 0 : i32
    %dma_wait3A_241 = arith.constant 0 : i32
    %dma_wait3A_242 = tpu.memref_slice %arg6[%dma_wait3A_228, %dma_wait3A_240, %dma_wait3A_241] : memref<5x128x128xf32, #tpu.memory_space<vmem>> -> memref<1x128x128xf32, #tpu.memory_space<vmem>>
    %dma_wait3A_243 = tpu.memref_squeeze %dma_wait3A_242 : memref<1x128x128xf32, #tpu.memory_space<vmem>> -> memref<128x128xf32, #tpu.memory_space<vmem>>
    tpu.wait_dma2 semaphore(%dma_wait3A_237 : memref<!tpu.dma_semaphore, #tpu.memory_space<semaphore_mem>>) src(%dma_wait3A_243 : memref<128x128xf32, #tpu.memory_space<vmem>>) dst(%dma_wait3A_239 : memref<128x128xf32, #tpu.memory_space<hbm>>)
    %add3A_244 = arith.constant 25088 : i32
    %add3A_245 = arith.addi %mul3A_2, %add3A_244 : i32
    %dma_wait3A_246 = arith.constant 1 : i32
    %dma_wait3A_247 = arith.constant 1 : i32
    %dma_wait3A_248 = arith.constant 0 : i32
    %dma_wait3A_249 = arith.constant 0 : i32
    %dma_wait3A_250 = tpu.memref_slice %arg6[%dma_wait3A_246, %dma_wait3A_248, %dma_wait3A_249] : memref<5x128x128xf32, #tpu.memory_space<vmem>> -> memref<1x128x128xf32, #tpu.memory_space<vmem>>
    %dma_wait3A_251 = tpu.memref_squeeze %dma_wait3A_250 : memref<1x128x128xf32, #tpu.memory_space<vmem>> -> memref<128x128xf32, #tpu.memory_space<vmem>>
    %dma_wait3A_252 = arith.constant 0 : i32
    %dma_wait3A_253 = tpu.memref_slice %arg4[%add3A_245, %dma_wait3A_252] : memref<819200x128xf32, #tpu.memory_space<hbm>> -> memref<128x128xf32, #tpu.memory_space<hbm>>
    %dma_wait3A_254 = tpu.memref_slice %arg8[%dma_wait3A_247] : memref<5x!tpu.dma_semaphore, #tpu.memory_space<semaphore_mem>> -> memref<1x!tpu.dma_semaphore, #tpu.memory_space<semaphore_mem>>
    %dma_wait3A_255 = tpu.memref_squeeze %dma_wait3A_254 : memref<1x!tpu.dma_semaphore, #tpu.memory_space<semaphore_mem>> -> memref<!tpu.dma_semaphore, #tpu.memory_space<semaphore_mem>>
    %dma_wait3A_256 = arith.constant 0 : i32
    %dma_wait3A_257 = tpu.memref_slice %arg4[%add3A_245, %dma_wait3A_256] : memref<819200x128xf32, #tpu.memory_space<hbm>> -> memref<128x128xf32, #tpu.memory_space<hbm>>
    %dma_wait3A_258 = arith.constant 0 : i32
    %dma_wait3A_259 = arith.constant 0 : i32
    %dma_wait3A_260 = tpu.memref_slice %arg6[%dma_wait3A_246, %dma_wait3A_258, %dma_wait3A_259] : memref<5x128x128xf32, #tpu.memory_space<vmem>> -> memref<1x128x128xf32, #tpu.memory_space<vmem>>
    %dma_wait3A_261 = tpu.memref_squeeze %dma_wait3A_260 : memref<1x128x128xf32, #tpu.memory_space<vmem>> -> memref<128x128xf32, #tpu.memory_space<vmem>>
    tpu.wait_dma2 semaphore(%dma_wait3A_255 : memref<!tpu.dma_semaphore, #tpu.memory_space<semaphore_mem>>) src(%dma_wait3A_261 : memref<128x128xf32, #tpu.memory_space<vmem>>) dst(%dma_wait3A_257 : memref<128x128xf32, #tpu.memory_space<hbm>>)
    %add3A_262 = arith.constant 25216 : i32
    %add3A_263 = arith.addi %mul3A_2, %add3A_262 : i32
    %dma_wait3A_264 = arith.constant 2 : i32
    %dma_wait3A_265 = arith.constant 2 : i32
    %dma_wait3A_266 = arith.constant 0 : i32
    %dma_wait3A_267 = arith.constant 0 : i32
    %dma_wait3A_268 = tpu.memref_slice %arg6[%dma_wait3A_264, %dma_wait3A_266, %dma_wait3A_267] : memref<5x128x128xf32, #tpu.memory_space<vmem>> -> memref<1x128x128xf32, #tpu.memory_space<vmem>>
    %dma_wait3A_269 = tpu.memref_squeeze %dma_wait3A_268 : memref<1x128x128xf32, #tpu.memory_space<vmem>> -> memref<128x128xf32, #tpu.memory_space<vmem>>
    %dma_wait3A_270 = arith.constant 0 : i32
    %dma_wait3A_271 = tpu.memref_slice %arg4[%add3A_263, %dma_wait3A_270] : memref<819200x128xf32, #tpu.memory_space<hbm>> -> memref<128x128xf32, #tpu.memory_space<hbm>>
    %dma_wait3A_272 = tpu.memref_slice %arg8[%dma_wait3A_265] : memref<5x!tpu.dma_semaphore, #tpu.memory_space<semaphore_mem>> -> memref<1x!tpu.dma_semaphore, #tpu.memory_space<semaphore_mem>>
    %dma_wait3A_273 = tpu.memref_squeeze %dma_wait3A_272 : memref<1x!tpu.dma_semaphore, #tpu.memory_space<semaphore_mem>> -> memref<!tpu.dma_semaphore, #tpu.memory_space<semaphore_mem>>
    %dma_wait3A_274 = arith.constant 0 : i32
    %dma_wait3A_275 = tpu.memref_slice %arg4[%add3A_263, %dma_wait3A_274] : memref<819200x128xf32, #tpu.memory_space<hbm>> -> memref<128x128xf32, #tpu.memory_space<hbm>>
    %dma_wait3A_276 = arith.constant 0 : i32
    %dma_wait3A_277 = arith.constant 0 : i32
    %dma_wait3A_278 = tpu.memref_slice %arg6[%dma_wait3A_264, %dma_wait3A_276, %dma_wait3A_277] : memref<5x128x128xf32, #tpu.memory_space<vmem>> -> memref<1x128x128xf32, #tpu.memory_space<vmem>>
    %dma_wait3A_279 = tpu.memref_squeeze %dma_wait3A_278 : memref<1x128x128xf32, #tpu.memory_space<vmem>> -> memref<128x128xf32, #tpu.memory_space<vmem>>
    tpu.wait_dma2 semaphore(%dma_wait3A_273 : memref<!tpu.dma_semaphore, #tpu.memory_space<semaphore_mem>>) src(%dma_wait3A_279 : memref<128x128xf32, #tpu.memory_space<vmem>>) dst(%dma_wait3A_275 : memref<128x128xf32, #tpu.memory_space<hbm>>)
    %add3A_280 = arith.constant 25344 : i32
    %add3A_281 = arith.addi %mul3A_2, %add3A_280 : i32
    %dma_wait3A_282 = arith.constant 3 : i32
    %dma_wait3A_283 = arith.constant 3 : i32
    %dma_wait3A_284 = arith.constant 0 : i32
    %dma_wait3A_285 = arith.constant 0 : i32
    %dma_wait3A_286 = tpu.memref_slice %arg6[%dma_wait3A_282, %dma_wait3A_284, %dma_wait3A_285] : memref<5x128x128xf32, #tpu.memory_space<vmem>> -> memref<1x128x128xf32, #tpu.memory_space<vmem>>
    %dma_wait3A_287 = tpu.memref_squeeze %dma_wait3A_286 : memref<1x128x128xf32, #tpu.memory_space<vmem>> -> memref<128x128xf32, #tpu.memory_space<vmem>>
    %dma_wait3A_288 = arith.constant 0 : i32
    %dma_wait3A_289 = tpu.memref_slice %arg4[%add3A_281, %dma_wait3A_288] : memref<819200x128xf32, #tpu.memory_space<hbm>> -> memref<128x128xf32, #tpu.memory_space<hbm>>
    %dma_wait3A_290 = tpu.memref_slice %arg8[%dma_wait3A_283] : memref<5x!tpu.dma_semaphore, #tpu.memory_space<semaphore_mem>> -> memref<1x!tpu.dma_semaphore, #tpu.memory_space<semaphore_mem>>
    %dma_wait3A_291 = tpu.memref_squeeze %dma_wait3A_290 : memref<1x!tpu.dma_semaphore, #tpu.memory_space<semaphore_mem>> -> memref<!tpu.dma_semaphore, #tpu.memory_space<semaphore_mem>>
    %dma_wait3A_292 = arith.constant 0 : i32
    %dma_wait3A_293 = tpu.memref_slice %arg4[%add3A_281, %dma_wait3A_292] : memref<819200x128xf32, #tpu.memory_space<hbm>> -> memref<128x128xf32, #tpu.memory_space<hbm>>
    %dma_wait3A_294 = arith.constant 0 : i32
    %dma_wait3A_295 = arith.constant 0 : i32
    %dma_wait3A_296 = tpu.memref_slice %arg6[%dma_wait3A_282, %dma_wait3A_294, %dma_wait3A_295] : memref<5x128x128xf32, #tpu.memory_space<vmem>> -> memref<1x128x128xf32, #tpu.memory_space<vmem>>
    %dma_wait3A_297 = tpu.memref_squeeze %dma_wait3A_296 : memref<1x128x128xf32, #tpu.memory_space<vmem>> -> memref<128x128xf32, #tpu.memory_space<vmem>>
    tpu.wait_dma2 semaphore(%dma_wait3A_291 : memref<!tpu.dma_semaphore, #tpu.memory_space<semaphore_mem>>) src(%dma_wait3A_297 : memref<128x128xf32, #tpu.memory_space<vmem>>) dst(%dma_wait3A_293 : memref<128x128xf32, #tpu.memory_space<hbm>>)
    %add3A_298 = arith.constant 25472 : i32
    %add3A_299 = arith.addi %mul3A_2, %add3A_298 : i32
    %dma_wait3A_300 = arith.constant 4 : i32
    %dma_wait3A_301 = arith.constant 4 : i32
    %dma_wait3A_302 = arith.constant 0 : i32
    %dma_wait3A_303 = arith.constant 0 : i32
    %dma_wait3A_304 = tpu.memref_slice %arg6[%dma_wait3A_300, %dma_wait3A_302, %dma_wait3A_303] : memref<5x128x128xf32, #tpu.memory_space<vmem>> -> memref<1x128x128xf32, #tpu.memory_space<vmem>>
    %dma_wait3A_305 = tpu.memref_squeeze %dma_wait3A_304 : memref<1x128x128xf32, #tpu.memory_space<vmem>> -> memref<128x128xf32, #tpu.memory_space<vmem>>
    %dma_wait3A_306 = arith.constant 0 : i32
    %dma_wait3A_307 = tpu.memref_slice %arg4[%add3A_299, %dma_wait3A_306] : memref<819200x128xf32, #tpu.memory_space<hbm>> -> memref<128x128xf32, #tpu.memory_space<hbm>>
    %dma_wait3A_308 = tpu.memref_slice %arg8[%dma_wait3A_301] : memref<5x!tpu.dma_semaphore, #tpu.memory_space<semaphore_mem>> -> memref<1x!tpu.dma_semaphore, #tpu.memory_space<semaphore_mem>>
    %dma_wait3A_309 = tpu.memref_squeeze %dma_wait3A_308 : memref<1x!tpu.dma_semaphore, #tpu.memory_space<semaphore_mem>> -> memref<!tpu.dma_semaphore, #tpu.memory_space<semaphore_mem>>
    %dma_wait3A_310 = arith.constant 0 : i32
    %dma_wait3A_311 = tpu.memref_slice %arg4[%add3A_299, %dma_wait3A_310] : memref<819200x128xf32, #tpu.memory_space<hbm>> -> memref<128x128xf32, #tpu.memory_space<hbm>>
    %dma_wait3A_312 = arith.constant 0 : i32
    %dma_wait3A_313 = arith.constant 0 : i32
    %dma_wait3A_314 = tpu.memref_slice %arg6[%dma_wait3A_300, %dma_wait3A_312, %dma_wait3A_313] : memref<5x128x128xf32, #tpu.memory_space<vmem>> -> memref<1x128x128xf32, #tpu.memory_space<vmem>>
    %dma_wait3A_315 = tpu.memref_squeeze %dma_wait3A_314 : memref<1x128x128xf32, #tpu.memory_space<vmem>> -> memref<128x128xf32, #tpu.memory_space<vmem>>
    tpu.wait_dma2 semaphore(%dma_wait3A_309 : memref<!tpu.dma_semaphore, #tpu.memory_space<semaphore_mem>>) src(%dma_wait3A_315 : memref<128x128xf32, #tpu.memory_space<vmem>>) dst(%dma_wait3A_311 : memref<128x128xf32, #tpu.memory_space<hbm>>)
    return
  }
}

module attributes {stable_mosaic.version = 14 : i64} {
  func.func @_norm_body(%arg0: i32, %arg1: memref<2000x128xf32, #tpu.memory_space<vmem>>, %arg2: memref<1x128xf32, #tpu.memory_space<vmem>>, %arg3: memref<2000x128xf32, #tpu.memory_space<vmem>>) attributes {dimension_semantics = [#tpu.dimension_semantics<arbitrary>], iteration_bounds = array<i64: 50>, scalar_prefetch = 0 : i64, scratch_operands = 0 : i64, tpu.core_type = #tpu.core_type<tc>, window_params = [{transform_indices = @transform_0, window_bounds = array<i64: 2000, 128>}, {pipeline_mode = #tpu.pipeline_mode<synchronous>, transform_indices = @transform_1, window_bounds = array<i64: 1, 128>}, {transform_indices = @transform_2, window_bounds = array<i64: 2000, 128>}]} {
    %get3A = arith.constant 0 : index
    %get3A_0 = arith.constant 0 : index
    %get3A_1 = vector.load %arg1[%get3A, %get3A_0] : memref<2000x128xf32, #tpu.memory_space<vmem>>, vector<2000x128xf32>
    %mul3A = arith.mulf %get3A_1, %get3A_1 : vector<2000x128xf32>
    %reduce_sum3A = arith.constant dense<0.000000e+00> : vector<2000xf32>
    %reduce_sum3A_2 = vector.multi_reduction <add>, %mul3A, %reduce_sum3A [1] : vector<2000x128xf32> to vector<2000xf32>
    %broadcast_in_dim3A = vector.shape_cast %reduce_sum3A_2 : vector<2000xf32> to vector<2000x1xf32>
    %div3A = arith.constant 1.280000e+02 : f32
    %div3A_3 = vector.broadcast %div3A : f32 to vector<2000x1xf32>
    %div3A_4 = arith.divf %broadcast_in_dim3A, %div3A_3 : vector<2000x1xf32>
    %add3A = arith.constant 9.99999996E-13 : f32
    %add3A_5 = vector.broadcast %add3A : f32 to vector<2000x1xf32>
    %add3A_6 = arith.addf %div3A_4, %add3A_5 : vector<2000x1xf32>
    %rsqrt3A = math.rsqrt %add3A_6 : vector<2000x1xf32>
    %mul3A_7 = vector.broadcast %rsqrt3A : vector<2000x1xf32> to vector<2000x128xf32>
    %mul3A_8 = arith.mulf %get3A_1, %mul3A_7 : vector<2000x128xf32>
    %get3A_9 = arith.constant 0 : index
    %get3A_10 = arith.constant 0 : index
    %get3A_11 = vector.load %arg2[%get3A_9, %get3A_10] : memref<1x128xf32, #tpu.memory_space<vmem>>, vector<1x128xf32>
    %mul3A_12 = vector.broadcast %get3A_11 : vector<1x128xf32> to vector<2000x128xf32>
    %mul3A_13 = arith.mulf %mul3A_8, %mul3A_12 : vector<2000x128xf32>
    %swap3A = arith.constant 0 : index
    %swap3A_14 = arith.constant 0 : index
    %swap3A_15 = vector.load %arg3[%swap3A, %swap3A_14] : memref<2000x128xf32, #tpu.memory_space<vmem>>, vector<2000x128xf32>
    tpu.vector_store %arg3[%swap3A, %swap3A_14], %mul3A_13 {strides = array<i32>} : memref<2000x128xf32, #tpu.memory_space<vmem>>, vector<2000x128xf32>,
    return
  }
  func.func @transform_0(%arg0: i32) -> (i32, i32) {
    %c0_i32 = arith.constant 0 : i32
    %c0_i32_0 = arith.constant 0 : i32
    return %arg0, %c0_i32 : i32, i32
  }
  func.func @transform_1(%arg0: i32) -> (i32, i32) {
    %c0_i32 = arith.constant 0 : i32
    %c0_i32_0 = arith.constant 0 : i32
    %c0_i32_1 = arith.constant 0 : i32
    return %c0_i32, %c0_i32_0 : i32, i32
  }
  func.func @transform_2(%arg0: i32) -> (i32, i32) {
    %c0_i32 = arith.constant 0 : i32
    %c0_i32_0 = arith.constant 0 : i32
    return %arg0, %c0_i32 : i32, i32
  }
}

</mosaic_0001>

<sc_bundles>
// kernel: kernel.4.cloned.1.call-start
scs
__scs_entry_jumppad:
0x0: {  	(pc) =	sbr.rel $0x88, $3  }
0x1: {  	(tag) =	ssettag $0x0;
	lr =	simm.s32 $0x1  }
0x2: {  	[smem:$0x3F9E] =	sst lr;
	_ =	strace $0xD0000000  }
0x3: {  	_ = 	snop  }
0x4: {  	_ = 	snop  }
0x5: {  	_ = 	snop  }
0x6: {  	_ = 	snop  }
0x7: {  	_ = 	snop  }
__scs_overlays_trampoline_lowered:
0x8: {  	[smem:$0x3FAD] =	sst s0  }
0x9: {  	[smem:$0x3FAE] =	sst s1  }
0xa: {  	[smem:$0x3FAF] =	sst s2  }
0xb: {  	[smem:$0x3FB0] =	sst s3  }
0xc: {  	[smem:$0x3FB1] =	sst s4  }
0xd: {  	[smem:$0x3FB2] =	sst s5  }
0xe: {  	[smem:$0x3FB3] =	sst s6  }
0xf: {  	[smem:$0x3FB4] =	sst s7  }
0x10: {  	[smem:$0x3FB5] =	sst s8  }
0x11: {  	[smem:$0x3FB6] =	sst s9;
	s0 =	simm.s32 @!p0 $0x0  }
0x12: {  	s1 =	sld [smem:$0x3F9C];
	s0 =	simm.s32 @p0 $0x1  }
0x13: {  	[smem:$0x3FB7] =	sst s0;
	s0 =	simm.s32 @!p1 $0x0  }
0x14: {  	s2 =	sld [smem:$0x3F9B];
	s0 =	simm.s32 @p1 $0x1  }
0x15: {  	[smem:$0x3FB8] =	sst s0;
	s0 =	simm.s32 @!p2 $0x0  }
0x16: {  	s3 =	sld [smem:$0x3FDB];
	s0 =	simm.s32 @p2 $0x1  }
0x17: {  	s4 =	simm.s32 $0x1BF5;
	[smem:$0x3FBA] =	sst s0  }
0x18: {  	s0 =	sld [smem:$0x3F9D];
	_ =	swait.ge [sflag:s4], $0x0  }
0x19: {  	s7 =	sld [smem:$0x3F9E]  }
0x1a: {  	s8 =	sadd.s32 $0xFFFFE003, lr  }
0x1b: {  	s9 =	sadd.s32 $0xFFFFFEF7, lr;
	s5 =	simm.s32 $0xFFFFFFFF;
	p2 =	slt.u32 s8, $0xFFFFF086  }
0x1c: {  	p1 =	slt.u32 s9, $0xF7A;
	s5 =	simm.s32 @!p2 $0x0  }
0x1d: {  	s5 =	simm.s32 @p1 $0x1;
	p0 =	seq.s32 s7, s2  }
0x1e: {  	s7 =	smul.u32 @!p0 $0xF7A, s2;
	p2 =	seq.s32 @!p0 s5, $0x0  }
0x1f: {  	s9 =	smul.u32 $0xF7A, s1;
	s8 =	simm.s32 @!p0 $0x1BF5;
	p2 =	por !p2, p0  }
0x20: {  	[sflag:s8] =	ssyncset.s32 @!p0 $0xFFFFF086;
	s6 =	sadd.s32 @!p0 s3, s7;
	s7 =	simm.s32 @!p0 $0x108  }
0x21: {  	s3 =	sadd.s32 s3, s9;
	s6 =	sadd.s32 @!p0 $0x88, s6;
	s7 =	simm.s32 @p2 $0x1082  }
0x22: {  	[simem:s7], [sflag:s8] =	dma.local @!p0 [hbm:s6], $0xF7A  }
0x23: {  	s9 =	sor.u32 $0xD0000000, s2;
	s6 =	simm.s32 $0x108;
	_ =	swait.ge @!p0 [sflag:s8], $0x0  }
0x24: {  	s3 =	sadd.s32 $0x88, s3;
	s6 =	simm.s32 @!p1 $0x1082;
	[sflag:s4] =	ssyncset.s32 $0xFFFFF086  }
0x25: {  	[simem:s6], [sflag:s4] =	dma.local [hbm:s3], $0xF7A  }
0x26: {  	[smem:$0x3F9E] =	sst s1;
	(tag) =	ssettag s2;
	_ =	strace s9  }
0x27: {  	s1 =	sld [smem:$0x3FAE]  }
0x28: {  	s2 =	sld [smem:$0x3FAF]  }
0x29: {  	s4 =	sld [smem:$0x3FB1]  }
0x2a: {  	p0 =	seq.s32 s5, $0x0;
	s5 =	sld [smem:$0x3FB2]  }
0x2b: {  	s6 =	sld [smem:$0x3FB3]  }
0x2c: {  	s7 =	sld [smem:$0x3FB4]  }
0x2d: {  	s3 =	simm.s32 $0x108;
	s8 =	sld [smem:$0x3FB5]  }
0x2e: {  	s3 =	simm.s32 @!p0 $0x1082;
	s9 =	sld [smem:$0x3FB6]  }
0x2f: {  	lr =	sadd.s32 s0, s3;
	s0 =	sld [smem:$0x3FAD]  }
0x30: {  	s3 =	sld [smem:$0x3FB0]  }
0x31: {  	[smem:$0x3FB9] =	sst s10  }
0x32: {  	s10 =	sld [smem:$0x3FB7];
	_ =	sdelay $0x3  }
0x33: {  	p0 =	seq.s32 s10, $0x1;
	s10 =	sld [smem:$0x3FB9];
	_ =	sdelay $0x3  }
0x34: {  	[smem:$0x3FB9] =	sst s10  }
0x35: {  	s10 =	sld [smem:$0x3FB8];
	_ =	sdelay $0x3  }
0x36: {  	p1 =	seq.s32 s10, $0x1;
	s10 =	sld [smem:$0x3FB9];
	_ =	sdelay $0x3  }
0x37: {  	[smem:$0x3FB9] =	sst s10  }
0x38: {  	s10 =	sld [smem:$0x3FBA]  }
0x39: {  	_ = 	snop;
	(pc) =	sbr.ind lr, $3  }
0x3a: {  	_ = 	snop  }
0x3b: {  	_ = 	snop  }
0x3c: {  	p2 =	seq.s32 s10, $0x1;
	s10 =	sld [smem:$0x3FB9]  }
0x3d: {  	_ =	shalt  }
0x3e: {  	_ =	shalt  }
0x3f: {  	_ =	shalt  }
0x40: {  	_ =	shalt  }
0x41: {  	_ =	shalt  }
0x42: {  	_ =	shalt  }
0x43: {  	_ =	shalt  }
0x44: {  	_ =	shalt  }
0x45: {  	_ =	shalt  }
0x46: {  	_ =	shalt  }
0x47: {  	_ =	shalt  }
0x48: {  	_ =	shalt  }
0x49: {  	_ =	shalt  }
0x4a: {  	_ =	shalt  }
0x4b: {  	_ =	shalt  }
0x4c: {  	_ =	shalt  }
0x4d: {  	_ =	shalt  }
0x4e: {  	_ =	shalt  }
0x4f: {  	_ =	shalt  }
0x50: {  	_ =	shalt  }
0x51: {  	_ =	shalt  }
0x52: {  	_ =	shalt  }
0x53: {  	_ =	shalt  }
0x54: {  	_ =	shalt  }
0x55: {  	_ =	shalt  }
0x56: {  	_ =	shalt  }
0x57: {  	_ =	shalt  }
0x58: {  	_ =	shalt  }
0x59: {  	_ =	shalt  }
0x5a: {  	_ =	shalt  }
0x5b: {  	_ =	shalt  }
0x5c: {  	_ =	shalt  }
0x5d: {  	_ =	shalt  }
0x5e: {  	_ =	shalt  }
0x5f: {  	_ =	shalt  }
0x60: {  	_ =	shalt  }
0x61: {  	_ =	shalt  }
0x62: {  	_ =	shalt  }
0x63: {  	_ =	shalt  }
0x64: {  	_ =	shalt  }
0x65: {  	_ =	shalt  }
0x66: {  	_ =	shalt  }
0x67: {  	_ =	shalt  }
0x68: {  	_ =	shalt  }
0x69: {  	_ =	shalt  }
0x6a: {  	_ =	shalt  }
0x6b: {  	_ =	shalt  }
0x6c: {  	_ =	shalt  }
0x6d: {  	_ =	shalt  }
0x6e: {  	_ =	shalt  }
0x6f: {  	_ =	shalt  }
0x70: {  	_ =	shalt  }
0x71: {  	_ =	shalt  }
0x72: {  	_ =	shalt  }
0x73: {  	_ =	shalt  }
0x74: {  	_ =	shalt  }
0x75: {  	_ =	shalt  }
0x76: {  	_ =	shalt  }
0x77: {  	_ =	shalt  }
0x78: {  	_ =	shalt  }
0x79: {  	_ =	shalt  }
0x7a: {  	_ =	shalt  }
0x7b: {  	_ =	shalt  }
0x7c: {  	_ =	shalt  }
0x7d: {  	_ =	shalt  }
0x7e: {  	_ =	shalt  }
0x7f: {  	_ =	shalt  }
0x80: {  	_ =	shalt  }
0x81: {  	_ =	shalt  }
0x82: {  	_ =	shalt  }
0x83: {  	_ =	shalt  }
0x84: {  	_ =	shalt  }
0x85: {  	_ =	shalt  }
0x86: {  	_ =	shalt  }
0x87: {  	_ =	shalt  }
.Lfunc_end0:
.L_simem_size_0:
called_computation_lowered:
.L_overlay_start_0:
0x88: {  	s2 =	sld [smem:$0x3FD9]  }
0x89: {  	s3 =	sld [smem:$0x3FFE];
	_ =	sdelay $0x1  }
0x8a: {  	s1 =	srdreg.scid  }
0x8b: {  	s0 =	sand.u32 $0x1, s1  }
0x8c: {  	s17 =	sshll.u32 s0, $0xA;
	s2 =	sadd.s32 s3, s2  }
0x8d: {  	s2 =	sadd.s32 s2, s17  }
0x8e: {  	[smem:$0x3FC5] =	sst s2  }
0x8f: {  	_ = 	snop  }
0x90: {  	s2 =	sld [smem:$0x3FD0];
	(tm) =	ssettm $0x1  }
0x91: {  	s18 =	sld [smem:$0x3FFB];
	_ =	sdelay $0x3  }
0x92: {  	_ =	strace s18  }
0x93: {  	s3 =	sld [smem:$0x3FFC];
	_ =	sdelay $0x3  }
0x94: {  	_ =	strace s3  }
0x95: {  	s3 =	sld [smem:$0x3FFD];
	_ =	sdelay $0x3  }
0x96: {  	_ =	strace s3  }
0x97: {  	_ =	strace $0x8FFFFFFF  }
0x98: {  	s19 =	sld [smem:$0x3FDB];
	_ =	sdelay $0x1  }
0x99: {  	s4 =	simm.s32 $_scs_section_size  }
0x9a: {  	s5 =	simm.s32 $_size__tile_overlayer_lowered;
	s6 =	simm.s32 $_tile_overlayer_lowered  }
0x9b: {  	s22 =	simm.s32 $0x1BFF;
	s21 =	sshll.u32 s6, $0x1;
	s3 =	sadd.s32 s4, s19  }
0x9c: {  	s7 =	simm.s32 $0x0;
	s20 =	sshll.u32 s5, $0x1;
	s5 =	sadd.s32 s21, s3  }
0x9d: {  	[timem:s7], [sflag:s22] =	dma.local [hbm:s5], s20  }
0x9e: {  	_ =	swait.ge [sflag:s22], s20  }
0x9f: {  	s4 =	ssub.s32 $0x0, s20;
	[sflag:s22] =	ssyncset.done $0x0  }
0xa0: {  	[sflag:s22] =	ssyncadd.s32 s4;
	_ =	sdelay $0x1  }
0xa1: {  	s23 =	simm.s32 $0x1B8B  }
0xa2: {  	_ =	swait.ge [sflag:s23], $0x1  }
0xa3: {  	[sflag:s23] =	ssyncset.done $0x0  }
0xa4: {  	s25 =	simm.s32 $0x1B8E;
	s24 =	sld [smem:$0x3FFE];
	[sflag:s23] =	ssyncadd.s32 $0xFFFFFFFF  }
0xa5: {  	s26 =	simm.s32 $execute0_lowered;
	[smem:$0x3FD2] =	sst s25  }
0xa6: {  	s5 =	sshll.u32 s26, $0x1;
	_ =	strace $0x80000046;
	[dreg:$0x1] =	wrdreg $0xFFFFFFFF  }
0xa7: {  	s28 =	simm.s32 $_size_execute0_lowered;
	s3 =	sadd.s32 s3, s5;
	[dreg:$0x0] =	wrdreg $0x0  }
0xa8: {  	s5 =	sshll.u32 s28, $0x1;
	[dreg:$0x2] =	wrdreg s3  }
0xa9: {  	[dreg:$0x3] =	wrdreg s5  }
0xaa: {  	[dreg:$0x4] =	wrdreg $0xC0  }
0xab: {  	_ =	task [dreg:s7], $0x5FFFF  }
0xac: {  	[dreg:$0x1] =	wrdreg $0xFFFFFFFF  }
0xad: {  	[dreg:$0x0] =	wrdreg $0x60  }
0xae: {  	[dreg:$0x2] =	wrdreg s24  }
0xaf: {  	[dreg:$0x3] =	wrdreg s2  }
0xb0: {  	[dreg:$0x4] =	wrdreg $0x9  }
0xb1: {  	_ =	task.clear_ibuf [dreg:s7], $0x5FFFF;
	_ =	strace $0x90000046  }
0xb2: {  	s29 =	simm.s32 $0x9;
	_ =	strace $0x80000048  }
0xb3: {  	_ =	swait.ge [sflag:s29], $0x1  }
0xb4: {  	[sflag:s29] =	ssyncadd.s32 $0xFFFFFFFF  }
0xb5: {  	_ =	strace $0x90000048  }
0xb6: {  	_ =	sfence  }
0xb7: {  	s30 =	sld [smem:$0x0];
	_ =	sdelay $0x2  }
0xb8: {  	s31 =	sshll.u32 s1, $0xD;
	s1 =	sshrl.u32 s1, $0x2  }
0xb9: {  	s3 =	sand.u32 $0x4000, s31;
	s1 =	sadd.s32 s1, s30  }
0xba: {  	s0 =	sor.u32 s3, s0;
	s1 =	sshll.u32 s1, $0x11  }
0xbb: {  	s0 =	sor.u32 s1, s0  }
0xbc: {  	s0 =	sadd.s32 $0x8F2B, s0  }
0xbd: {  	[sflag:s0] =	ssyncadd.remote.s32 $0x1  }
0xbe: {  	_ =	sfence.sel $0xFFFF  }
0xbf: {  	[dreg:$0x0] =	wrdreg $0xFFFFFFFF;
	(pc) =	sbr.abs _section_cstart, $3  }
0xc0: {  	[dreg:$0x1] =	wrdreg $0xFFFFFFFF  }
0xc1: {  	_ =	task.clear_ibuf [dreg:s7], $0x2FFFF;
	_ =	strace $0x9FFFFFFF  }
0xc2: {  	(tm) =	ssettm $0x7FFFFFFF  }
0xc3: {  	_ =	shalt  }
tec
execute0_lowered:
.L_overlay_start_1:
0x0: {  	(tag) =	ssettag $0x1  }
0x1: {  	s0 =	rddreg [dreg:$0x0]  }
0x2: {  	s1 =	srdreg.scid;
	s8 =	stileid.u32  }
0x3: {  	s7 =	rddreg [dreg:$0x1];
	s2 =	simm.s32 $0x0;
	s12 =	simm.s32 $0xB  }
0x4: {  	s13 =	simm.s32 $0x80;
	s14 =	simm.s32 $0x6400;
	s15 =	simm.s32 $0xA400  }
0x5: {  	s17 =	simm.s32 $0xE400;
	s19 =	simm.s32 $0x12400;
	s21 =	simm.s32 $0x16400  }
0x6: {  	s22 =	simm.s32 $0x1;
	s23 =	simm.s32 $0x2;
	s28 =	simm.s32 $0x6  }
0x7: {  	s29 =	simm.s32 $0x7;
	s30 =	simm.s32 $0x8;
	s1 =	sand.u32 $0x1, s1  }
0x8: {  	s3 =	sshll.u32 s8, $0x1;
	[smem:$0x7FF] =	sst s2;
	s8 =	smul.u32 $0xC8000, s8  }
0x9: {  	s3 =	sor.u32 s1, s3;
	s5 =	ssub.s32 $0x2, s1;
	s1 =	smul.u32 $0x64000, s1  }
0xa: {  	s31 =	simm.s32 $0x9;
	_ =	strace $0x80000047;
	s4 =	smul.u32 $0x6400, s3  }
0xb: {  	s6 =	smul.u32 $0x320000, s3;
	s24 =	sshrl.u32 s5, $0x1;
	s9 =	sadd.s32 s8, s7  }
0xc: {  	s3 =	sadd.s32 $0x19600, s0;
	s10 =	ssub.s32 s5, s24;
	s1 =	sadd.s32 s1, s9  }
0xd: {  	s24 =	simm.s32 $0x3;
	s4 =	sshrl.u32 s4, $0x3;
	s25 =	sshrl.u32 s6, $0x3  }
0xe: {  	s10 =	smax.u32 s10, $0x1;
	s11 =	sadd.s32 $0x2000, s1;
	s1 =	simm.s32 $0xA  }
0xf: {  	s0 =	sadd.s32 s4, s0;
	s26 =	sadd.s32 s7, s25;
	s25 =	simm.s32 $0x4  }
0x10: {  	s0 =	sadd.s32 $0x600, s0;
	s5 =	sadd.s32 $0x61800, s26;
	s6 =	sadd.s32 $0x62000, s26  }
0x11: {  	s7 =	sadd.s32 $0x62800, s26;
	s8 =	sadd.s32 $0x63000, s26;
	s9 =	sadd.s32 $0x63800, s26  }
0x12: {  	s26 =	simm.s32 $0x5;
	[dreg:$0x3] =	wrdreg s0;
	s0 =	simm.s32 $0x0  }
.LBB2_1:
0x13: {  	s4 =	rddreg [dreg:$0x3]  }
0x14: {  	[tilespmem:s2], [sflag:$0xB] =	stream.linear.gather [hbm4b:s4+s2], $0x6400, $0x38;
	[tilespmem:$0x1A400] =	vst v63  }
0x15: {  	_ =	swait.ge [sflag:s12], $0x6400  }
0x16: {  	[sflag:s12] =	ssyncset.done $0x0  }
0x17: {  	[sflag:s12] =	ssyncadd.s32 $0xFFFF9C00  }
0x18: {  	[tilespmem:s14], [sflag:$0x1] =	stream.indirect.gather [hbm4b:s3+s13], $0x80, s2, s13, $0xb8;
	[tilespmem:$0x1A400] =	vst v63  }
0x19: {  	_ = 	snop  }
0x1a: {  	[tilespmem:s15], [sflag:$0x2] =	stream.indirect.gather [hbm4b:s3+s13], $0x80, s13, s13, $0xb8;
	[tilespmem:$0x1A400] =	vst v63  }
0x1b: {  	s20 =	simm.s32 $0x100  }
0x1c: {  	[tilespmem:s17], [sflag:$0x3] =	stream.indirect.gather [hbm4b:s3+s13], $0x80, s20, s13, $0xb8;
	[tilespmem:$0x1A400] =	vst v63  }
0x1d: {  	s16 =	simm.s32 $0x180  }
0x1e: {  	[tilespmem:s19], [sflag:$0x4] =	stream.indirect.gather [hbm4b:s3+s13], $0x80, s16, s13, $0xb8;
	[tilespmem:$0x1A400] =	vst v63  }
0x1f: {  	s18 =	simm.s32 $0x200  }
0x20: {  	[tilespmem:s21], [sflag:$0x5] =	stream.indirect.gather [hbm4b:s3+s13], $0x80, s18, s13, $0xb8;
	[tilespmem:$0x1A400] =	vst v63  }
0x21: {  	_ =	swait.ge [sflag:s22], $0x4000  }
0x22: {  	[sflag:s22] =	ssyncset.done $0x0  }
0x23: {  	s16 =	sadd.s32 $0xFFFFE000, s11;
	[sflag:s22] =	ssyncadd.s32 $0xFFFFC000  }
0x24: {  	[hbm4b:s16+s2] =	stream.linear.scatter [tilespmem:s14], [sflag:$0x6], $0x4000, $0x38;
	[tilespmem:$0x1A400] =	vst v63  }
0x25: {  	_ =	swait.ge [sflag:s23], $0x4000  }
0x26: {  	[sflag:s23] =	ssyncset.done $0x0  }
0x27: {  	s20 =	sadd.s32 $0xFFFFE800, s11;
	[sflag:s23] =	ssyncadd.s32 $0xFFFFC000  }
0x28: {  	[hbm4b:s20+s2] =	stream.linear.scatter [tilespmem:s15], [sflag:$0x7], $0x4000, $0x38;
	[tilespmem:$0x1A400] =	vst v63  }
0x29: {  	_ =	swait.ge [sflag:s24], $0x4000  }
0x2a: {  	[sflag:s24] =	ssyncset.done $0x0  }
0x2b: {  	s4 =	sadd.s32 $0xFFFFF000, s11;
	[sflag:s24] =	ssyncadd.s32 $0xFFFFC000  }
0x2c: {  	[hbm4b:s4+s2] =	stream.linear.scatter [tilespmem:s17], [sflag:$0x8], $0x4000, $0x38;
	[tilespmem:$0x1A400] =	vst v63  }
0x2d: {  	_ =	swait.ge [sflag:s25], $0x4000  }
0x2e: {  	[sflag:s25] =	ssyncset.done $0x0  }
0x2f: {  	s18 =	sadd.s32 $0xFFFFF800, s11;
	[sflag:s25] =	ssyncadd.s32 $0xFFFFC000  }
0x30: {  	[hbm4b:s18+s2] =	stream.linear.scatter [tilespmem:s19], [sflag:$0x9], $0x4000, $0x38;
	[tilespmem:$0x1A400] =	vst v63  }
0x31: {  	_ =	swait.ge [sflag:s26], $0x4000  }
0x32: {  	[sflag:s26] =	ssyncset.done $0x0  }
0x33: {  	[sflag:s26] =	ssyncadd.s32 $0xFFFFC000  }
0x34: {  	[hbm4b:s11+s2] =	stream.linear.scatter [tilespmem:s21], [sflag:$0xA], $0x4000, $0x38;
	[tilespmem:$0x1A400] =	vst v63  }
0x35: {  	_ =	swait.ge [sflag:s28], $0x4000  }
0x36: {  	[sflag:s28] =	ssyncset.done $0x0  }
0x37: {  	s20 =	simm.s32 $0x280;
	[sflag:s28] =	ssyncadd.s32 $0xFFFFC000  }
0x38: {  	[tilespmem:s14], [sflag:$0x1] =	stream.indirect.gather [hbm4b:s3+s13], $0x80, s20, s13, $0xb8;
	[tilespmem:$0x1A400] =	vst v63  }
0x39: {  	_ =	swait.ge [sflag:s29], $0x4000  }
0x3a: {  	[sflag:s29] =	ssyncset.done $0x0  }
0x3b: {  	s4 =	simm.s32 $0x300;
	[sflag:s29] =	ssyncadd.s32 $0xFFFFC000  }
0x3c: {  	[tilespmem:s15], [sflag:$0x2] =	stream.indirect.gather [hbm4b:s3+s13], $0x80, s4, s13, $0xb8;
	[tilespmem:$0x1A400] =	vst v63  }
0x3d: {  	_ =	swait.ge [sflag:s30], $0x4000  }
0x3e: {  	[sflag:s30] =	ssyncset.done $0x0  }
0x3f: {  	s18 =	simm.s32 $0x380;
	[sflag:s30] =	ssyncadd.s32 $0xFFFFC000  }
0x40: {  	[tilespmem:s17], [sflag:$0x3] =	stream.indirect.gather [hbm4b:s3+s13], $0x80, s18, s13, $0xb8;
	[tilespmem:$0x1A400] =	vst v63  }
0x41: {  	_ =	swait.ge [sflag:s31], $0x4000  }
0x42: {  	[sflag:s31] =	ssyncset.done $0x0  }
0x43: {  	s20 =	simm.s32 $0x400;
	[sflag:s31] =	ssyncadd.s32 $0xFFFFC000  }
0x44: {  	[tilespmem:s19], [sflag:$0x4] =	stream.indirect.gather [hbm4b:s3+s13], $0x80, s20, s13, $0xb8;
	[tilespmem:$0x1A400] =	vst v63  }
0x45: {  	_ =	swait.ge [sflag:s1], $0x4000  }
0x46: {  	s16 =	simm.s32 $0xA00;
	[sflag:s1] =	ssyncset.done $0x0  }
0x47: {  	s18 =	sadd.s32 $0x2800, s11;
	s20 =	simm.s32 $0x480;
	[sflag:s1] =	ssyncadd.s32 $0xFFFFC000  }
.LBB2_2:
0x48: {  	[tilespmem:s21], [sflag:$0x5] =	stream.indirect.gather [hbm4b:s3+s13], $0x80, s20, s13, $0xb8;
	[tilespmem:$0x1A400] =	vst v63  }
0x49: {  	s20 =	smov.u32 s16  }
0x4a: {  	p0 =	sne.s32 s16, $0x17C00;
	s16 =	sadd.s32 $0xA00, s16;
	_ =	swait.ge [sflag:s22], $0x4000  }
0x4b: {  	[sflag:s22] =	ssyncset.done $0x0  }
0x4c: {  	s4 =	sadd.s32 $0xFFFFE000, s18;
	[sflag:s22] =	ssyncadd.s32 $0xFFFFC000  }
0x4d: {  	[hbm4b:s4+s2] =	stream.linear.scatter [tilespmem:s14], [sflag:$0x6], $0x4000, $0x38;
	[tilespmem:$0x1A400] =	vst v63  }
0x4e: {  	_ =	swait.ge [sflag:s23], $0x4000  }
0x4f: {  	[sflag:s23] =	ssyncset.done $0x0  }
0x50: {  	s4 =	sadd.s32 $0xFFFFE800, s18;
	[sflag:s23] =	ssyncadd.s32 $0xFFFFC000  }
0x51: {  	[hbm4b:s4+s2] =	stream.linear.scatter [tilespmem:s15], [sflag:$0x7], $0x4000, $0x38;
	[tilespmem:$0x1A400] =	vst v63  }
0x52: {  	_ =	swait.ge [sflag:s24], $0x4000  }
0x53: {  	[sflag:s24] =	ssyncset.done $0x0  }
0x54: {  	s4 =	sadd.s32 $0xFFFFF000, s18;
	[sflag:s24] =	ssyncadd.s32 $0xFFFFC000  }
0x55: {  	[hbm4b:s4+s2] =	stream.linear.scatter [tilespmem:s17], [sflag:$0x8], $0x4000, $0x38;
	[tilespmem:$0x1A400] =	vst v63  }
0x56: {  	_ =	swait.ge [sflag:s25], $0x4000  }
0x57: {  	[sflag:s25] =	ssyncset.done $0x0  }
0x58: {  	s4 =	sadd.s32 $0xFFFFF800, s18;
	[sflag:s25] =	ssyncadd.s32 $0xFFFFC000  }
0x59: {  	[hbm4b:s4+s2] =	stream.linear.scatter [tilespmem:s19], [sflag:$0x9], $0x4000, $0x38;
	[tilespmem:$0x1A400] =	vst v63  }
0x5a: {  	_ =	swait.ge [sflag:s26], $0x4000  }
0x5b: {  	[sflag:s26] =	ssyncset.done $0x0  }
0x5c: {  	[sflag:s26] =	ssyncadd.s32 $0xFFFFC000  }
0x5d: {  	[hbm4b:s18+s2] =	stream.linear.scatter [tilespmem:s21], [sflag:$0xA], $0x4000, $0x38;
	[tilespmem:$0x1A400] =	vst v63  }
0x5e: {  	_ =	swait.ge [sflag:s28], $0x4000  }
0x5f: {  	s4 =	sshra.s32 s20, $0x2;
	[sflag:s28] =	ssyncset.done $0x0  }
0x60: {  	s20 =	sadd.s32 $0x280, s4;
	[sflag:s28] =	ssyncadd.s32 $0xFFFFC000  }
0x61: {  	[tilespmem:s14], [sflag:$0x1] =	stream.indirect.gather [hbm4b:s3+s13], $0x80, s20, s13, $0xb8;
	[tilespmem:$0x1A400] =	vst v63  }
0x62: {  	_ =	swait.ge [sflag:s29], $0x4000  }
0x63: {  	[sflag:s29] =	ssyncset.done $0x0  }
0x64: {  	s20 =	sadd.s32 $0x300, s4;
	[sflag:s29] =	ssyncadd.s32 $0xFFFFC000  }
0x65: {  	[tilespmem:s15], [sflag:$0x2] =	stream.indirect.gather [hbm4b:s3+s13], $0x80, s20, s13, $0xb8;
	[tilespmem:$0x1A400] =	vst v63  }
0x66: {  	_ =	swait.ge [sflag:s30], $0x4000  }
0x67: {  	[sflag:s30] =	ssyncset.done $0x0  }
0x68: {  	s20 =	sadd.s32 $0x380, s4;
	[sflag:s30] =	ssyncadd.s32 $0xFFFFC000  }
0x69: {  	[tilespmem:s17], [sflag:$0x3] =	stream.indirect.gather [hbm4b:s3+s13], $0x80, s20, s13, $0xb8;
	[tilespmem:$0x1A400] =	vst v63  }
0x6a: {  	_ =	swait.ge [sflag:s31], $0x4000  }
0x6b: {  	[sflag:s31] =	ssyncset.done $0x0  }
.Ltmp0:
0x6c: {  	s20 =	sadd.s32 $0x400, s4;
	[sflag:s31] =	ssyncadd.s32 $0xFFFFC000;
	(pc) =	sbr.rel @p0 .LBB2_2-.Ltmp0, $4  }
0x6d: {  	[tilespmem:s19], [sflag:$0x4] =	stream.indirect.gather [hbm4b:s3+s13], $0x80, s20, s13, $0xb8;
	[tilespmem:$0x1A400] =	vst v63  }
0x6e: {  	_ =	swait.ge [sflag:s1], $0x4000  }
0x6f: {  	[sflag:s1] =	ssyncset.done $0x0  }
0x70: {  	s18 =	sadd.s32 $0x2800, s18;
	s20 =	sadd.s32 $0x480, s4;
	[sflag:s1] =	ssyncadd.s32 $0xFFFFC000  }
0x71: {  	[tilespmem:s21], [sflag:$0x5] =	stream.indirect.gather [hbm4b:s3+s13], $0x80, s20, s13, $0xb8;
	[tilespmem:$0x1A400] =	vst v63  }
0x72: {  	_ =	swait.ge [sflag:s22], $0x4000  }
0x73: {  	[sflag:s22] =	ssyncset.done $0x0  }
0x74: {  	[sflag:s22] =	ssyncadd.s32 $0xFFFFC000  }
0x75: {  	[hbm4b:s5+s2] =	stream.linear.scatter [tilespmem:s14], [sflag:$0x6], $0x4000, $0x38;
	[tilespmem:$0x1A400] =	vst v63  }
0x76: {  	_ =	swait.ge [sflag:s23], $0x4000  }
0x77: {  	[sflag:s23] =	ssyncset.done $0x0  }
0x78: {  	[sflag:s23] =	ssyncadd.s32 $0xFFFFC000  }
0x79: {  	[hbm4b:s6+s2] =	stream.linear.scatter [tilespmem:s15], [sflag:$0x7], $0x4000, $0x38;
	[tilespmem:$0x1A400] =	vst v63  }
0x7a: {  	_ =	swait.ge [sflag:s24], $0x4000  }
0x7b: {  	[sflag:s24] =	ssyncset.done $0x0  }
0x7c: {  	[sflag:s24] =	ssyncadd.s32 $0xFFFFC000  }
0x7d: {  	[hbm4b:s7+s2] =	stream.linear.scatter [tilespmem:s17], [sflag:$0x8], $0x4000, $0x38;
	[tilespmem:$0x1A400] =	vst v63  }
0x7e: {  	_ =	swait.ge [sflag:s25], $0x4000  }
0x7f: {  	[sflag:s25] =	ssyncset.done $0x0  }
0x80: {  	[sflag:s25] =	ssyncadd.s32 $0xFFFFC000  }
0x81: {  	[hbm4b:s8+s2] =	stream.linear.scatter [tilespmem:s19], [sflag:$0x9], $0x4000, $0x38;
	[tilespmem:$0x1A400] =	vst v63  }
0x82: {  	_ =	swait.ge [sflag:s26], $0x4000  }
0x83: {  	[sflag:s26] =	ssyncset.done $0x0  }
0x84: {  	[sflag:s26] =	ssyncadd.s32 $0xFFFFC000  }
0x85: {  	[hbm4b:s9+s2] =	stream.linear.scatter [tilespmem:s21], [sflag:$0xA], $0x4000, $0x38;
	[tilespmem:$0x1A400] =	vst v63  }
0x86: {  	_ =	swait.ge [sflag:s28], $0x4000  }
0x87: {  	[sflag:s28] =	ssyncset.done $0x0  }
0x88: {  	[sflag:s28] =	ssyncadd.s32 $0xFFFFC000  }
0x89: {  	_ =	swait.ge [sflag:s29], $0x4000  }
0x8a: {  	[sflag:s29] =	ssyncset.done $0x0  }
0x8b: {  	[sflag:s29] =	ssyncadd.s32 $0xFFFFC000  }
0x8c: {  	_ =	swait.ge [sflag:s30], $0x4000  }
0x8d: {  	[sflag:s30] =	ssyncset.done $0x0  }
0x8e: {  	s0 =	sadd.s32 $0x1, s0;
	[sflag:s30] =	ssyncadd.s32 $0xFFFFC000  }
0x8f: {  	p0 =	sne.s32 s0, s10;
	_ =	swait.ge [sflag:s31], $0x4000  }
.Ltmp1:
0x90: {  	[sflag:s31] =	ssyncset.done $0x0;
	(pc) =	sbr.rel @p0 .LBB2_1-.Ltmp1, $4  }
0x91: {  	[sflag:s31] =	ssyncadd.s32 $0xFFFFC000  }
0x92: {  	_ =	swait.ge [sflag:s1], $0x4000  }
0x93: {  	[sflag:s1] =	ssyncset.done $0x0  }
0x94: {  	[sflag:s1] =	ssyncadd.s32 $0xFFFFC000  }
0x95: {  	_ =	sfence.sel $0x180000  }
0x96: {  	[bflag:$0x0] =	sbarrier.arrive $0xFFFF  }
0x97: {  	_ =	strace $0x90000047  }
0x98: {  	s0 =	stileid.u32;
	[bflag:$0x2] =	sbarrier.arrive $0xFFFF  }
0x99: {  	p0 =	sne.s32 s0, $0x0;
	s0 =	rddreg [dreg:$0x2]  }
0x9a: {  	s0 =	sadd.s32 @!p0 $0x100000, s0  }
0x9b: {  	[sflag:s0] =	ssyncadd.tile.s32 @!p0 $0x1;
	_ =	shalt  }
.Lfunc_end2:
_tile_overlayer_lowered:
.L_overlay_start_2:
0x9c: {  	(tag) =	ssettag $0x2  }
0x9d: {  	s0 =	rddreg [dreg:$0x0];
	s2 =	stileid.u32  }
0x9e: {  	s1 =	rddreg [dreg:$0x1];
	p0 =	sne.s32 s2, $0x0  }
0x9f: {  	s3 =	rddreg [dreg:$0x2];
	[bflag:$0x3] =	sbarrier.arrive $0xFFFF;
	s2 =	simm.s32 @!p0 $0x1C0B  }
0xa0: {  	[timem:s3], [sflag:s2] =	dma.local @!p0 [hbm:s0], s1  }
0xa1: {  	s0 =	simm.s32 @!p0 $0xB  }
0xa2: {  	_ =	swait.ge @!p0 [sflag:s0], s1  }
0xa3: {  	s1 =	ssub.s32 @!p0 $0x0, s1;
	[sflag:s0] =	ssyncset.done @!p0 $0x0  }
0xa4: {  	[sflag:s0] =	ssyncadd.s32 @!p0 s1  }
0xa5: {  	[bflag:$0x3] =	sbarrier.arrive $0xFFFF  }
0xa6: {  	_ =	shalt  }

</sc_bundles>
